<compile_context>
chip_gen: v7x
topology: tpu7x:2x2x1
jax: 0.10.2.dev20260603
libtpu: 0.0.44.dev20260713+nightly
codegen_flags: <defaults>
</compile_context>

<pallas_src>
import functools
import math

import jax
import jax.numpy as jnp
from jax import lax
from jax.experimental import pallas as pl
from jax.experimental.pallas import tpu as pltpu
from jax.experimental.pallas import tpu_sc as plsc

B, M, D, H, NK, QNB = 2, 2048, 1024, 16, 5, 5
HS = D // H
BH = B * H
RL = 2 * HS
CHUNK = 32
NCH = M // CHUNK
RPC = CHUNK * NK * 2
GG = 80
NG = RPC // GG
OW = NK * 16 + NK * HS
BLK = 512
QP = M + 8
LEAD = 8
WIN = BLK + 8


def _stage_a_body(k_ref, v_ref, qpad_ref, mask_ref,
                  wk_ref, bk_ref, wv_ref, bv_ref, wq_ref, bq_ref,
                  woff_ref, boff_ref,
                  kk_ref, vv_ref, qs_ref, idx0_ref, idx1_ref, w0_ref, w1_ref):
    i = pl.program_id(0)
    f32 = jnp.float32
    kk_ref[...] = (jnp.dot(k_ref[...], wk_ref[...],
                           preferred_element_type=f32) + bk_ref[...])
    vv_ref[...] = (jnp.dot(v_ref[...], wv_ref[...],
                           preferred_element_type=f32) + bv_ref[...])
    blocks_per_batch = M // BLK
    b = i // blocks_per_batch
    local = (i - b * blocks_per_batch) * BLK
    base = pl.multiple_of(LEAD + b * QP + local, 8)
    win = qpad_ref[pl.ds(base, WIN), :]
    rowio = lax.broadcasted_iota(jnp.int32, (BLK, WIN), 0)
    colio = lax.broadcasted_iota(jnp.int32, (BLK, WIN), 1)
    diff = colio - rowio
    band = jnp.where((diff >= 0) & (diff < QNB), 1.0 / QNB, 0.0).astype(f32)
    pq = jnp.dot(band, win, preferred_element_type=f32)
    qq = jnp.dot(pq, wq_ref[...], preferred_element_type=f32)
    rl = local + lax.broadcasted_iota(jnp.int32, (BLK, 1), 0)
    cnt = (QNB - jnp.maximum(2 - rl, 0) - jnp.maximum(rl - (M - 3), 0))
    qq = qq + bq_ref[...] * (cnt.astype(f32) * (1.0 / QNB))
    qs_ref[...] = qq * (1.0 / math.sqrt(HS))
    off = jnp.dot(qq, woff_ref[...], preferred_element_type=f32) + boff_ref[...]
    msum = jnp.sum(mask_ref[...].astype(f32), axis=2)
    slen = jnp.where(b == 0, msum[0, 0], msum[1, 0]) - 1.0
    lam = lax.broadcasted_iota(jnp.int32, (BLK, H * NK), 1)
    h = lam // NK
    j = lam - h * NK
    sl = (j + (-NK // 2)).astype(f32) + off + rl.astype(f32)
    sl = jnp.mod(sl, slen)
    sl = sl / (M - 1) * 2.0 - 1.0
    xu = ((sl + 1.0) * M - 1.0) / 2.0
    x0 = jnp.floor(xu)
    w1 = xu - x0
    w0 = 1.0 - w1
    x0i = x0.astype(jnp.int32)
    x1i = x0i + 1
    m0 = ((x0i >= 0) & (x0i < M)).astype(f32)
    m1 = ((x1i >= 0) & (x1i < M)).astype(f32)
    base = b * (H * M) + h * M
    idx0_ref[...] = base + jnp.clip(x0i, 0, M - 1)
    idx1_ref[...] = base + jnp.clip(x1i, 0, M - 1)
    erow = lax.broadcasted_iota(jnp.int32, (H * NK, H * NK * 16), 0)
    ecol = lax.broadcasted_iota(jnp.int32, (H * NK, H * NK * 16), 1)
    emat = (ecol // 16 == erow).astype(f32)
    w0_ref[...] = jnp.dot(0.5 * w0 * m0, emat, preferred_element_type=f32)
    w1_ref[...] = jnp.dot(0.5 * w1 * m1, emat, preferred_element_type=f32)


def _stage_a(k2, v2, qpad, mask_i, W_k, b_k, W_v, b_v, W_q, b_q, W_off, b_off):
    f32 = jnp.float32
    n = B * M
    full = lambda *s: pl.BlockSpec(s, lambda i: tuple(0 for _ in s))
    return pl.pallas_call(
        _stage_a_body,
        grid=(n // BLK,),
        in_specs=[
            pl.BlockSpec((BLK, D), lambda i: (i, 0)),
            pl.BlockSpec((BLK, D), lambda i: (i, 0)),
            full(LEAD + B * QP, D),
            full(B, 1, M),
            full(D, D), full(1, D),
            full(D, D), full(1, D),
            full(D, D), full(1, D),
            full(D, H * NK), full(1, H * NK),
        ],
        out_specs=[
            pl.BlockSpec((BLK, D), lambda i: (i, 0)),
            pl.BlockSpec((BLK, D), lambda i: (i, 0)),
            pl.BlockSpec((BLK, D), lambda i: (i, 0)),
            pl.BlockSpec((BLK, H * NK), lambda i: (i, 0)),
            pl.BlockSpec((BLK, H * NK), lambda i: (i, 0)),
            pl.BlockSpec((BLK, H * NK * 16), lambda i: (i, 0)),
            pl.BlockSpec((BLK, H * NK * 16), lambda i: (i, 0)),
        ],
        out_shape=[
            jax.ShapeDtypeStruct((n, D), f32),
            jax.ShapeDtypeStruct((n, D), f32),
            jax.ShapeDtypeStruct((n, D), f32),
            jax.ShapeDtypeStruct((n, H * NK), jnp.int32),
            jax.ShapeDtypeStruct((n, H * NK), jnp.int32),
            jax.ShapeDtypeStruct((n, H * NK * 16), f32),
            jax.ShapeDtypeStruct((n, H * NK * 16), f32),
        ],
        compiler_params=pltpu.CompilerParams(
            vmem_limit_bytes=100 * 1024 * 1024),
    )(k2, v2, qpad, mask_i, W_k, b_k, W_v, b_v, W_q, b_q, W_off, b_off)


def _sc_gather_body(kv_hbm, q_hbm, idx_hbm, w0_hbm, w1_hbm, out_hbm,
                    idxb, kvb, qb, wb0, wb1, ob, sem):
    f32 = jnp.float32
    wid = lax.axis_index("s") * 2 + lax.axis_index("c")

    def chunk_body(cc, carry):
        pltpu.sync_copy(idx_hbm.at[pl.ds(wid * (M * NK * 2) + cc * RPC, RPC)],
                        idxb)
        rbase = wid * M + cc * CHUNK
        pltpu.sync_copy(q_hbm.at[pl.ds(rbase * HS, CHUNK * HS)], qb)
        pltpu.sync_copy(w0_hbm.at[pl.ds(rbase * NK * 16, CHUNK * NK * 16)],
                        wb0)
        pltpu.sync_copy(w1_hbm.at[pl.ds(rbase * NK * 16, CHUNK * NK * 16)],
                        wb1)
        cps = [pltpu.async_copy(kv_hbm.at[idxb.at[pl.ds(g * GG, GG)]],
                                kvb.at[pl.ds(g * GG, GG), :], sem)
               for g in range(NG)]
        for cp in cps:
            cp.wait()

        def mbody(m, c2):
            qv = [qb[pl.ds(m * HS + c * 16, 16)] for c in range(4)]
            for jj in range(NK):
                r0 = (m * NK + jj) * 2
                w0 = wb0[pl.ds((m * NK + jj) * 16, 16)]
                w1 = wb1[pl.ds((m * NK + jj) * 16, 16)]
                t = []
                for c in range(4):
                    k0 = kvb[r0, pl.ds(c * 16, 16)]
                    k1 = kvb[r0 + 1, pl.ds(c * 16, 16)]
                    t.append(qv[c] * (w0 * k0 + w1 * k1))
                ob[pl.ds(m * OW + jj * 16, 16)] = (t[0] + t[1]) + (t[2] + t[3])
                for c in range(4):
                    v0 = kvb[r0, pl.ds(HS + c * 16, 16)]
                    v1 = kvb[r0 + 1, pl.ds(HS + c * 16, 16)]
                    ob[pl.ds(m * OW + NK * 16 + jj * HS + c * 16, 16)] = (
                        w0 * v0 + w1 * v1)
            return c2

        lax.fori_loop(0, CHUNK, mbody, 0)
        pltpu.sync_copy(ob, out_hbm.at[pl.ds(rbase * OW, CHUNK * OW)])
        return carry

    lax.fori_loop(0, NCH, chunk_body, 0)


@functools.cache
def _get_sc_gather():
    return functools.partial(
        pl.kernel,
        out_type=jax.ShapeDtypeStruct((BH * M * OW,), jnp.float32),
        mesh=plsc.VectorSubcoreMesh(core_axis_name="c", subcore_axis_name="s"),
        scratch_types=[
            pltpu.VMEM((RPC,), jnp.int32),
            pltpu.VMEM((RPC, RL), jnp.float32),
            pltpu.VMEM((CHUNK * HS,), jnp.float32),
            pltpu.VMEM((CHUNK * NK * 16,), jnp.float32),
            pltpu.VMEM((CHUNK * NK * 16,), jnp.float32),
            pltpu.VMEM((CHUNK * OW,), jnp.float32),
            pltpu.SemaphoreType.DMA,
        ],
        compiler_params=pltpu.CompilerParams(needs_layout_passes=False),
    )(_sc_gather_body)


def _attn_body(x_ref, o_ref):
    x = x_ref[...]
    sc = [jnp.sum(x[:, jj * 16:(jj + 1) * 16], axis=1, keepdims=True)
          for jj in range(NK)]
    mx = jnp.maximum(jnp.maximum(jnp.maximum(sc[0], sc[1]),
                                 jnp.maximum(sc[2], sc[3])), sc[4])
    ex = [jnp.exp(s - mx) for s in sc]
    tot = ex[0] + ex[1] + ex[2] + ex[3] + ex[4]
    acc = jnp.zeros_like(o_ref)
    for jj in range(NK):
        acc = acc + (ex[jj] / tot) * x[:, NK * 16 + jj * HS:
                                       NK * 16 + (jj + 1) * HS]
    o_ref[...] = acc


def _attn_stage(ksvs, block_rows=1024):
    n = BH * M
    return pl.pallas_call(
        _attn_body,
        grid=(n // block_rows,),
        in_specs=[pl.BlockSpec((block_rows, OW), lambda i: (i, 0))],
        out_specs=pl.BlockSpec((block_rows, HS), lambda i: (i, 0)),
        out_shape=jax.ShapeDtypeStruct((n, HS), jnp.float32),
    )(ksvs)


def _matmul_bias_kernel(x_ref, w_ref, b_ref, o_ref):
    o_ref[...] = (jnp.dot(x_ref[...], w_ref[...],
                          preferred_element_type=jnp.float32) + b_ref[...])


def _matmul_bias(x, w, b, block_rows=512):
    n = x.shape[0]
    return pl.pallas_call(
        _matmul_bias_kernel,
        grid=(n // block_rows,),
        in_specs=[
            pl.BlockSpec((block_rows, x.shape[1]), lambda i: (i, 0)),
            pl.BlockSpec((w.shape[0], w.shape[1]), lambda i: (0, 0)),
            pl.BlockSpec((1, w.shape[1]), lambda i: (0, 0)),
        ],
        out_specs=pl.BlockSpec((block_rows, w.shape[1]), lambda i: (i, 0)),
        out_shape=jax.ShapeDtypeStruct((n, w.shape[1]), jnp.float32),
    )(x, w, b.reshape(1, -1))


def kernel(k, v, q, mask, W_k, b_k, W_v, b_v, W_q, b_q, W_off, b_off,
           W_out, b_out):
    f32 = jnp.float32
    pad = QNB // 2
    qpad = jnp.pad(q, ((0, 0), (pad, QP - M - pad), (0, 0))).reshape(B * QP, D)
    qpad = jnp.concatenate([jnp.zeros((LEAD, D), f32), qpad], axis=0)
    kk, vv, qs, idx0, idx1, w0, w1 = _stage_a(
        k.reshape(B * M, D), v.reshape(B * M, D), qpad,
        mask.astype(jnp.int32),
        W_k, b_k.reshape(1, D), W_v, b_v.reshape(1, D),
        W_q, b_q.reshape(1, D), W_off, b_off.reshape(1, H * NK))
    kk4 = kk.reshape(B, M, H, HS)
    vv4 = vv.reshape(B, M, H, HS)
    kv = jnp.concatenate([kk4, vv4], axis=-1).transpose(0, 2, 1, 3)
    kv = kv.reshape(BH * M, RL)
    qsc = qs.reshape(B, M, H, HS).transpose(0, 2, 1, 3).reshape(BH * M * HS)
    idxs = jnp.stack([idx0.reshape(B, M, H, NK), idx1.reshape(B, M, H, NK)],
                     axis=-1)
    idxs = idxs.transpose(0, 2, 1, 3, 4).reshape(BH * M * NK * 2)
    w0r = (w0.reshape(B, M, H, NK * 16).transpose(0, 2, 1, 3)
           .reshape(BH * M * NK * 16))
    w1r = (w1.reshape(B, M, H, NK * 16).transpose(0, 2, 1, 3)
           .reshape(BH * M * NK * 16))
    ksvs = _get_sc_gather()(kv, qsc, idxs, w0r, w1r)
    ctx = _attn_stage(ksvs.reshape(BH * M, OW))
    ctx = (ctx.reshape(B, H, M, HS).transpose(0, 2, 1, 3).reshape(B * M, D))
    return _matmul_bias(ctx, W_out, b_out).reshape(B, M, D)

# --- scband reference (transcript-rebuilt; emitter-appended) ---
"""Pipeline reference for scband-deformable-multi-headed-attention-68169720922400 (READ-ONLY COPY).

The authoritative reference and input builder live on the scoring server;
editing this copy changes nothing except your own understanding.
"""

import jax, jax.numpy as jnp
import numpy as np
import math

B, M, D, H, NK, QNB = 2, 2048, 1024, 16, 5, 5
HS = D // H

def _linear_init(key, fan_in, shape):
    s = 1.0 / math.sqrt(fan_in)
    return jax.random.uniform(key, shape, jnp.float32, -s, s)

def setup_inputs(seed: int = 0):
    key = jax.random.key(seed)
    ks = jax.random.split(key, 16)
    return {
        "k": jax.random.normal(ks[0], (B, M, D), jnp.float32),
        "v": jax.random.normal(ks[1], (B, M, D), jnp.float32),
        "q": jax.random.normal(ks[2], (B, M, D), jnp.float32),
        "mask": jnp.ones((B, 1, M), dtype=bool),
        "W_k": _linear_init(ks[3], D, (D, D)),
        "b_k": _linear_init(ks[4], D, (D,)),
        "W_v": _linear_init(ks[5], D, (D, D)),
        "b_v": _linear_init(ks[6], D, (D,)),
        "W_q": _linear_init(ks[7], D, (D, D)),
        "b_q": _linear_init(ks[8], D, (D,)),
        "W_off": _linear_init(ks[9], D, (D, H * NK)),
        "b_off": _linear_init(ks[10], D, (H * NK,)),
        "W_out": _linear_init(ks[11], D, (D, D)),
        "b_out": _linear_init(ks[12], D, (D,)),
    }

def _grid_sample_1d(src, xu, key_len):
    # src: [BH, M, HS]; xu: [BH, Q*NK] unnormalized x coords (align_corners=False)
    x0 = jnp.floor(xu)
    w1 = xu - x0
    w0 = 1.0 - w1
    x0i = x0.astype(jnp.int32)
    x1i = x0i + 1
    m0 = ((x0i >= 0) & (x0i < key_len)).astype(src.dtype)
    m1 = ((x1i >= 0) & (x1i < key_len)).astype(src.dtype)
    g0 = jnp.take_along_axis(src, jnp.clip(x0i, 0, key_len - 1)[:, :, None], axis=1)
    g1 = jnp.take_along_axis(src, jnp.clip(x1i, 0, key_len - 1)[:, :, None], axis=1)
    # y-grid is constant 1.0 with H_in=1 and align_corners=False: y_unnorm=0.5,
    # row 0 gets weight 0.5, row 1 is out-of-bounds (zeros padding) -> global 0.5 factor
    return 0.5 * ((w0 * m0)[:, :, None] * g0 + (w1 * m1)[:, :, None] * g1)

def _forward(k, v, q, mask, W_k, b_k, W_v, b_v, W_q, b_q, W_off, b_off, W_out, b_out):
    batch, key_len, _ = k.shape
    query_len = q.shape[1]
    kk = k @ W_k + b_k
    vv = v @ W_v + b_v
    qq = q @ W_q + b_q
    # AvgPool1d(kernel=QNB, stride=1, pad=QNB//2, count_include_pad=True)
    pad = QNB // 2
    qp = jnp.pad(qq, ((0, 0), (pad, pad), (0, 0)))
    qq = sum(qp[:, i:i + query_len, :] for i in range(QNB)) / float(QNB)
    offsets = (qq @ W_off + b_off).reshape(batch, query_len, H, NK).transpose(0, 2, 1, 3)
    kh = kk.reshape(batch, key_len, H, HS).transpose(0, 2, 1, 3)
    vh = vv.reshape(batch, key_len, H, HS).transpose(0, 2, 1, 3)
    qh = qq.reshape(batch, query_len, H, HS).transpose(0, 2, 1, 3)
    location_point = jnp.arange(query_len, dtype=jnp.float32)[:, None]
    left = -NK // 2
    right = NK + left
    reference_point = jnp.arange(left, right, dtype=jnp.float32)
    sign_lens = mask.sum(-1).reshape(batch).astype(jnp.float32) - 1.0
    sl = reference_point + offsets + location_point
    sl = jnp.mod(sl, sign_lens[:, None, None, None])
    sl = sl / (key_len - 1) * 2.0 - 1.0
    xu = ((sl + 1.0) * key_len - 1.0) / 2.0
    xu = xu.reshape(batch * H, query_len * NK)
    ksamp = _grid_sample_1d(kh.reshape(batch * H, key_len, HS), xu, key_len).reshape(batch, H, query_len, NK, HS)
    vsamp = _grid_sample_1d(vh.reshape(batch * H, key_len, HS), xu, key_len).reshape(batch, H, query_len, NK, HS)
    qh = qh / math.sqrt(HS)
    scores = (qh[:, :, :, None, :] * ksamp).sum(-1)
    attention = jax.nn.softmax(scores, axis=-1)
    # dropout omitted (eval mode)
    context = (attention[..., None] * vsamp).sum(-2)
    context = context.transpose(0, 2, 1, 3).reshape(batch, query_len, H * HS)
    return context @ W_out + b_out

def reference(k, v, q, mask, W_k, b_k, W_v, b_v, W_q, b_q, W_off, b_off, W_out, b_out):
    return _forward(k, v, q, mask, W_k, b_k, W_v, b_v, W_q, b_q, W_off, b_off, W_out, b_out)

if __name__ == "__main__":
    import jax
    _d = setup_inputs()
    print(jax.jit(kernel)(*tuple(_d.values())))

</pallas_src>

<mosaic_0001>
#map = affine_map<(d0, d1) -> (0, 0)>
#map1 = affine_map<(d0, d1) -> (0)>
module attributes {stable_mosaic.version = 14 : i64} {
  func.func @_sc_gather_body(%arg0: i32, %arg1: i32, %arg2: memref<65536x128xf32, #tpu.memory_space<hbm>>, %arg3: memref<4194304xf32, #tpu.memory_space<hbm>>, %arg4: memref<655360xi32, #tpu.memory_space<hbm>>, %arg5: memref<5242880xf32, #tpu.memory_space<hbm>>, %arg6: memref<5242880xf32, #tpu.memory_space<hbm>>, %arg7: memref<26214400xf32, #tpu.memory_space<hbm>>, %arg8: memref<320xi32, #tpu.memory_space<vmem>>, %arg9: memref<320x128xf32, #tpu.memory_space<vmem>>, %arg10: memref<2048xf32, #tpu.memory_space<vmem>>, %arg11: memref<2560xf32, #tpu.memory_space<vmem>>, %arg12: memref<2560xf32, #tpu.memory_space<vmem>>, %arg13: memref<12800xf32, #tpu.memory_space<vmem>>, %arg14: memref<!tpu.dma_semaphore, #tpu.memory_space<semaphore_mem>>) attributes {dimension_semantics = [#tpu.dimension_semantics<core_parallel>, #tpu.dimension_semantics<subcore_parallel>], iteration_bounds = array<i64: 2, 16>, scalar_prefetch = 0 : i64, scratch_operands = 7 : i64, tpu.core_type = #tpu.core_type<sc_vector_subcore>, window_params = [{transform_indices = #map}, {transform_indices = #map1}, {transform_indices = #map1}, {transform_indices = #map1}, {transform_indices = #map1}, {transform_indices = #map1}]} {
    %mul3A = arith.constant 2 : i32
    %mul3A_0 = arith.muli %arg1, %mul3A : i32
    %add3A = arith.addi %mul3A_0, %arg0 : i32
    %scan3A = arith.constant 0 : i32
    %scan3A_1 = arith.constant 0 : i32
    %scan3A_2 = arith.constant 64 : i32
    %scan3A_3 = arith.addi %scan3A_1, %scan3A_2 : i32
    %scan3A_4 = arith.constant 1 : i32
    scf.for %scan3A_6 = %scan3A_1 to %scan3A_3 step %scan3A_4  : i32 {
      %mul3A_7 = arith.constant 20480 : i32
      %mul3A_8 = arith.muli %add3A, %mul3A_7 : i32
      %mul3A_9 = arith.constant 320 : i32
      %mul3A_10 = arith.muli %scan3A_6, %mul3A_9 : i32
      %add3A_11 = arith.addi %mul3A_8, %mul3A_10 : i32
      "tpu.region"() ({
        %run_scoped3A = tpu.sem_alloc : memref<!tpu.dma_semaphore, #tpu.memory_space<semaphore_mem>>
        %dma_start3A_97 = tpu.memref_slice %arg4[%add3A_11] : memref<655360xi32, #tpu.memory_space<hbm>> -> memref<320xi32, #tpu.memory_space<hbm>>
        %dma_start3A_98 = tpu.memref_slice %arg4[%add3A_11] : memref<655360xi32, #tpu.memory_space<hbm>> -> memref<320xi32, #tpu.memory_space<hbm>>
        tpu.enqueue_dma source(%dma_start3A_98 : memref<320xi32, #tpu.memory_space<hbm>>) target(%arg8 : memref<320xi32, #tpu.memory_space<vmem>>) target_semaphore(%run_scoped3A : memref<!tpu.dma_semaphore, #tpu.memory_space<semaphore_mem>>)
        %dma_wait3A_99 = tpu.memref_slice %arg4[%add3A_11] : memref<655360xi32, #tpu.memory_space<hbm>> -> memref<320xi32, #tpu.memory_space<hbm>>
        %dma_wait3A_100 = tpu.memref_slice %arg4[%add3A_11] : memref<655360xi32, #tpu.memory_space<hbm>> -> memref<320xi32, #tpu.memory_space<hbm>>
        tpu.wait_dma2 semaphore(%run_scoped3A : memref<!tpu.dma_semaphore, #tpu.memory_space<semaphore_mem>>) src(%dma_wait3A_100 : memref<320xi32, #tpu.memory_space<hbm>>) dst(%arg8 : memref<320xi32, #tpu.memory_space<vmem>>)
        tpu.yield
      }) : () -> ()
      %mul3A_12 = arith.constant 2048 : i32
      %mul3A_13 = arith.muli %add3A, %mul3A_12 : i32
      %mul3A_14 = arith.constant 32 : i32
      %mul3A_15 = arith.muli %scan3A_6, %mul3A_14 : i32
      %add3A_16 = arith.addi %mul3A_13, %mul3A_15 : i32
      %mul3A_17 = arith.constant 64 : i32
      %mul3A_18 = arith.muli %add3A_16, %mul3A_17 : i32
      "tpu.region"() ({
        %run_scoped3A = tpu.sem_alloc : memref<!tpu.dma_semaphore, #tpu.memory_space<semaphore_mem>>
        %dma_start3A_97 = tpu.memref_slice %arg3[%mul3A_18] : memref<4194304xf32, #tpu.memory_space<hbm>> -> memref<2048xf32, #tpu.memory_space<hbm>>
        %dma_start3A_98 = tpu.memref_slice %arg3[%mul3A_18] : memref<4194304xf32, #tpu.memory_space<hbm>> -> memref<2048xf32, #tpu.memory_space<hbm>>
        tpu.enqueue_dma source(%dma_start3A_98 : memref<2048xf32, #tpu.memory_space<hbm>>) target(%arg10 : memref<2048xf32, #tpu.memory_space<vmem>>) target_semaphore(%run_scoped3A : memref<!tpu.dma_semaphore, #tpu.memory_space<semaphore_mem>>)
        %dma_wait3A_99 = tpu.memref_slice %arg3[%mul3A_18] : memref<4194304xf32, #tpu.memory_space<hbm>> -> memref<2048xf32, #tpu.memory_space<hbm>>
        %dma_wait3A_100 = tpu.memref_slice %arg3[%mul3A_18] : memref<4194304xf32, #tpu.memory_space<hbm>> -> memref<2048xf32, #tpu.memory_space<hbm>>
        tpu.wait_dma2 semaphore(%run_scoped3A : memref<!tpu.dma_semaphore, #tpu.memory_space<semaphore_mem>>) src(%dma_wait3A_100 : memref<2048xf32, #tpu.memory_space<hbm>>) dst(%arg10 : memref<2048xf32, #tpu.memory_space<vmem>>)
        tpu.yield
      }) : () -> ()
      %mul3A_19 = arith.constant 5 : i32
      %mul3A_20 = arith.muli %add3A_16, %mul3A_19 : i32
      %mul3A_21 = arith.constant 16 : i32
      %mul3A_22 = arith.muli %mul3A_20, %mul3A_21 : i32
      "tpu.region"() ({
        %run_scoped3A = tpu.sem_alloc : memref<!tpu.dma_semaphore, #tpu.memory_space<semaphore_mem>>
        %dma_start3A_97 = tpu.memref_slice %arg5[%mul3A_22] : memref<5242880xf32, #tpu.memory_space<hbm>> -> memref<2560xf32, #tpu.memory_space<hbm>>
        %dma_start3A_98 = tpu.memref_slice %arg5[%mul3A_22] : memref<5242880xf32, #tpu.memory_space<hbm>> -> memref<2560xf32, #tpu.memory_space<hbm>>
        tpu.enqueue_dma source(%dma_start3A_98 : memref<2560xf32, #tpu.memory_space<hbm>>) target(%arg11 : memref<2560xf32, #tpu.memory_space<vmem>>) target_semaphore(%run_scoped3A : memref<!tpu.dma_semaphore, #tpu.memory_space<semaphore_mem>>)
        %dma_wait3A_99 = tpu.memref_slice %arg5[%mul3A_22] : memref<5242880xf32, #tpu.memory_space<hbm>> -> memref<2560xf32, #tpu.memory_space<hbm>>
        %dma_wait3A_100 = tpu.memref_slice %arg5[%mul3A_22] : memref<5242880xf32, #tpu.memory_space<hbm>> -> memref<2560xf32, #tpu.memory_space<hbm>>
        tpu.wait_dma2 semaphore(%run_scoped3A : memref<!tpu.dma_semaphore, #tpu.memory_space<semaphore_mem>>) src(%dma_wait3A_100 : memref<2560xf32, #tpu.memory_space<hbm>>) dst(%arg11 : memref<2560xf32, #tpu.memory_space<vmem>>)
        tpu.yield
      }) : () -> ()
      %mul3A_23 = arith.constant 5 : i32
      %mul3A_24 = arith.muli %add3A_16, %mul3A_23 : i32
      %mul3A_25 = arith.constant 16 : i32
      %mul3A_26 = arith.muli %mul3A_24, %mul3A_25 : i32
      "tpu.region"() ({
        %run_scoped3A = tpu.sem_alloc : memref<!tpu.dma_semaphore, #tpu.memory_space<semaphore_mem>>
        %dma_start3A_97 = tpu.memref_slice %arg6[%mul3A_26] : memref<5242880xf32, #tpu.memory_space<hbm>> -> memref<2560xf32, #tpu.memory_space<hbm>>
        %dma_start3A_98 = tpu.memref_slice %arg6[%mul3A_26] : memref<5242880xf32, #tpu.memory_space<hbm>> -> memref<2560xf32, #tpu.memory_space<hbm>>
        tpu.enqueue_dma source(%dma_start3A_98 : memref<2560xf32, #tpu.memory_space<hbm>>) target(%arg12 : memref<2560xf32, #tpu.memory_space<vmem>>) target_semaphore(%run_scoped3A : memref<!tpu.dma_semaphore, #tpu.memory_space<semaphore_mem>>)
        %dma_wait3A_99 = tpu.memref_slice %arg6[%mul3A_26] : memref<5242880xf32, #tpu.memory_space<hbm>> -> memref<2560xf32, #tpu.memory_space<hbm>>
        %dma_wait3A_100 = tpu.memref_slice %arg6[%mul3A_26] : memref<5242880xf32, #tpu.memory_space<hbm>> -> memref<2560xf32, #tpu.memory_space<hbm>>
        tpu.wait_dma2 semaphore(%run_scoped3A : memref<!tpu.dma_semaphore, #tpu.memory_space<semaphore_mem>>) src(%dma_wait3A_100 : memref<2560xf32, #tpu.memory_space<hbm>>) dst(%arg12 : memref<2560xf32, #tpu.memory_space<vmem>>)
        tpu.yield
      }) : () -> ()
      %dma_start3A = arith.constant 0 : i32
      %dma_start3A_27 = arith.constant 0 : i32
      %dma_start3A_28 = tpu.memref_slice %arg9[%dma_start3A, %dma_start3A_27] : memref<320x128xf32, #tpu.memory_space<vmem>> -> memref<80x128xf32, #tpu.memory_space<vmem>>
      %dma_start3A_29 = arith.constant 0 : i32
      %dma_start3A_30 = tpu.memref_slice %arg8[%dma_start3A_29] : memref<320xi32, #tpu.memory_space<vmem>> -> memref<80xi32, #tpu.memory_space<vmem>>
      %dma_start3A_31 = arith.constant 0 : i32
      %dma_start3A_32 = arith.constant 0 : i32
      %dma_start3A_33 = tpu.memref_slice %arg2[%dma_start3A_31, %dma_start3A_32] : memref<65536x128xf32, #tpu.memory_space<hbm>> -> memref<65536x128xf32, #tpu.memory_space<hbm>>
      tpu.enqueue_indirect_dma source(%dma_start3A_33 : memref<65536x128xf32, #tpu.memory_space<hbm>>) target(%dma_start3A_28 : memref<80x128xf32, #tpu.memory_space<vmem>>) offsets(%dma_start3A_30 : memref<80xi32, #tpu.memory_space<vmem>>) semaphore(%arg14 : memref<!tpu.dma_semaphore, #tpu.memory_space<semaphore_mem>>)
      %dma_start3A_34 = arith.constant 80 : i32
      %dma_start3A_35 = arith.constant 0 : i32
      %dma_start3A_36 = tpu.memref_slice %arg9[%dma_start3A_34, %dma_start3A_35] : memref<320x128xf32, #tpu.memory_space<vmem>> -> memref<80x128xf32, #tpu.memory_space<vmem>>
      %dma_start3A_37 = arith.constant 80 : i32
      %dma_start3A_38 = tpu.memref_slice %arg8[%dma_start3A_37] : memref<320xi32, #tpu.memory_space<vmem>> -> memref<80xi32, #tpu.memory_space<vmem>>
      %dma_start3A_39 = arith.constant 0 : i32
      %dma_start3A_40 = arith.constant 0 : i32
      %dma_start3A_41 = tpu.memref_slice %arg2[%dma_start3A_39, %dma_start3A_40] : memref<65536x128xf32, #tpu.memory_space<hbm>> -> memref<65536x128xf32, #tpu.memory_space<hbm>>
      tpu.enqueue_indirect_dma source(%dma_start3A_41 : memref<65536x128xf32, #tpu.memory_space<hbm>>) target(%dma_start3A_36 : memref<80x128xf32, #tpu.memory_space<vmem>>) offsets(%dma_start3A_38 : memref<80xi32, #tpu.memory_space<vmem>>) semaphore(%arg14 : memref<!tpu.dma_semaphore, #tpu.memory_space<semaphore_mem>>)
      %dma_start3A_42 = arith.constant 160 : i32
      %dma_start3A_43 = arith.constant 0 : i32
      %dma_start3A_44 = tpu.memref_slice %arg9[%dma_start3A_42, %dma_start3A_43] : memref<320x128xf32, #tpu.memory_space<vmem>> -> memref<80x128xf32, #tpu.memory_space<vmem>>
      %dma_start3A_45 = arith.constant 160 : i32
      %dma_start3A_46 = tpu.memref_slice %arg8[%dma_start3A_45] : memref<320xi32, #tpu.memory_space<vmem>> -> memref<80xi32, #tpu.memory_space<vmem>>
      %dma_start3A_47 = arith.constant 0 : i32
      %dma_start3A_48 = arith.constant 0 : i32
      %dma_start3A_49 = tpu.memref_slice %arg2[%dma_start3A_47, %dma_start3A_48] : memref<65536x128xf32, #tpu.memory_space<hbm>> -> memref<65536x128xf32, #tpu.memory_space<hbm>>
      tpu.enqueue_indirect_dma source(%dma_start3A_49 : memref<65536x128xf32, #tpu.memory_space<hbm>>) target(%dma_start3A_44 : memref<80x128xf32, #tpu.memory_space<vmem>>) offsets(%dma_start3A_46 : memref<80xi32, #tpu.memory_space<vmem>>) semaphore(%arg14 : memref<!tpu.dma_semaphore, #tpu.memory_space<semaphore_mem>>)
      %dma_start3A_50 = arith.constant 240 : i32
      %dma_start3A_51 = arith.constant 0 : i32
      %dma_start3A_52 = tpu.memref_slice %arg9[%dma_start3A_50, %dma_start3A_51] : memref<320x128xf32, #tpu.memory_space<vmem>> -> memref<80x128xf32, #tpu.memory_space<vmem>>
      %dma_start3A_53 = arith.constant 240 : i32
      %dma_start3A_54 = tpu.memref_slice %arg8[%dma_start3A_53] : memref<320xi32, #tpu.memory_space<vmem>> -> memref<80xi32, #tpu.memory_space<vmem>>
      %dma_start3A_55 = arith.constant 0 : i32
      %dma_start3A_56 = arith.constant 0 : i32
      %dma_start3A_57 = tpu.memref_slice %arg2[%dma_start3A_55, %dma_start3A_56] : memref<65536x128xf32, #tpu.memory_space<hbm>> -> memref<65536x128xf32, #tpu.memory_space<hbm>>
      tpu.enqueue_indirect_dma source(%dma_start3A_57 : memref<65536x128xf32, #tpu.memory_space<hbm>>) target(%dma_start3A_52 : memref<80x128xf32, #tpu.memory_space<vmem>>) offsets(%dma_start3A_54 : memref<80xi32, #tpu.memory_space<vmem>>) semaphore(%arg14 : memref<!tpu.dma_semaphore, #tpu.memory_space<semaphore_mem>>)
      %dma_wait3A = arith.constant 0 : i32
      %dma_wait3A_58 = arith.constant 0 : i32
      %dma_wait3A_59 = tpu.memref_slice %arg9[%dma_wait3A, %dma_wait3A_58] : memref<320x128xf32, #tpu.memory_space<vmem>> -> memref<80x128xf32, #tpu.memory_space<vmem>>
      %dma_wait3A_60 = arith.constant 0 : i32
      %dma_wait3A_61 = tpu.memref_slice %arg8[%dma_wait3A_60] : memref<320xi32, #tpu.memory_space<vmem>> -> memref<80xi32, #tpu.memory_space<vmem>>
      %dma_wait3A_62 = arith.constant 0 : i32
      %dma_wait3A_63 = arith.constant 0 : i32
      %dma_wait3A_64 = tpu.memref_slice %arg2[%dma_wait3A_62, %dma_wait3A_63] : memref<65536x128xf32, #tpu.memory_space<hbm>> -> memref<65536x128xf32, #tpu.memory_space<hbm>>
      tpu.wait_indirect_dma semaphore(%arg14 : memref<!tpu.dma_semaphore, #tpu.memory_space<semaphore_mem>>) src(%dma_wait3A_64 : memref<65536x128xf32, #tpu.memory_space<hbm>>) dst(%dma_wait3A_59 : memref<80x128xf32, #tpu.memory_space<vmem>>)
      %dma_wait3A_65 = arith.constant 80 : i32
      %dma_wait3A_66 = arith.constant 0 : i32
      %dma_wait3A_67 = tpu.memref_slice %arg9[%dma_wait3A_65, %dma_wait3A_66] : memref<320x128xf32, #tpu.memory_space<vmem>> -> memref<80x128xf32, #tpu.memory_space<vmem>>
      %dma_wait3A_68 = arith.constant 80 : i32
      %dma_wait3A_69 = tpu.memref_slice %arg8[%dma_wait3A_68] : memref<320xi32, #tpu.memory_space<vmem>> -> memref<80xi32, #tpu.memory_space<vmem>>
      %dma_wait3A_70 = arith.constant 0 : i32
      %dma_wait3A_71 = arith.constant 0 : i32
      %dma_wait3A_72 = tpu.memref_slice %arg2[%dma_wait3A_70, %dma_wait3A_71] : memref<65536x128xf32, #tpu.memory_space<hbm>> -> memref<65536x128xf32, #tpu.memory_space<hbm>>
      tpu.wait_indirect_dma semaphore(%arg14 : memref<!tpu.dma_semaphore, #tpu.memory_space<semaphore_mem>>) src(%dma_wait3A_72 : memref<65536x128xf32, #tpu.memory_space<hbm>>) dst(%dma_wait3A_67 : memref<80x128xf32, #tpu.memory_space<vmem>>)
      %dma_wait3A_73 = arith.constant 160 : i32
      %dma_wait3A_74 = arith.constant 0 : i32
      %dma_wait3A_75 = tpu.memref_slice %arg9[%dma_wait3A_73, %dma_wait3A_74] : memref<320x128xf32, #tpu.memory_space<vmem>> -> memref<80x128xf32, #tpu.memory_space<vmem>>
      %dma_wait3A_76 = arith.constant 160 : i32
      %dma_wait3A_77 = tpu.memref_slice %arg8[%dma_wait3A_76] : memref<320xi32, #tpu.memory_space<vmem>> -> memref<80xi32, #tpu.memory_space<vmem>>
      %dma_wait3A_78 = arith.constant 0 : i32
      %dma_wait3A_79 = arith.constant 0 : i32
      %dma_wait3A_80 = tpu.memref_slice %arg2[%dma_wait3A_78, %dma_wait3A_79] : memref<65536x128xf32, #tpu.memory_space<hbm>> -> memref<65536x128xf32, #tpu.memory_space<hbm>>
      tpu.wait_indirect_dma semaphore(%arg14 : memref<!tpu.dma_semaphore, #tpu.memory_space<semaphore_mem>>) src(%dma_wait3A_80 : memref<65536x128xf32, #tpu.memory_space<hbm>>) dst(%dma_wait3A_75 : memref<80x128xf32, #tpu.memory_space<vmem>>)
      %dma_wait3A_81 = arith.constant 240 : i32
      %dma_wait3A_82 = arith.constant 0 : i32
      %dma_wait3A_83 = tpu.memref_slice %arg9[%dma_wait3A_81, %dma_wait3A_82] : memref<320x128xf32, #tpu.memory_space<vmem>> -> memref<80x128xf32, #tpu.memory_space<vmem>>
      %dma_wait3A_84 = arith.constant 240 : i32
      %dma_wait3A_85 = tpu.memref_slice %arg8[%dma_wait3A_84] : memref<320xi32, #tpu.memory_space<vmem>> -> memref<80xi32, #tpu.memory_space<vmem>>
      %dma_wait3A_86 = arith.constant 0 : i32
      %dma_wait3A_87 = arith.constant 0 : i32
      %dma_wait3A_88 = tpu.memref_slice %arg2[%dma_wait3A_86, %dma_wait3A_87] : memref<65536x128xf32, #tpu.memory_space<hbm>> -> memref<65536x128xf32, #tpu.memory_space<hbm>>
      tpu.wait_indirect_dma semaphore(%arg14 : memref<!tpu.dma_semaphore, #tpu.memory_space<semaphore_mem>>) src(%dma_wait3A_88 : memref<65536x128xf32, #tpu.memory_space<hbm>>) dst(%dma_wait3A_83 : memref<80x128xf32, #tpu.memory_space<vmem>>)
      %scan3A_89 = arith.constant 0 : i32
      %scan3A_90 = arith.constant 0 : i32
      %scan3A_91 = arith.constant 32 : i32
      %scan3A_92 = arith.addi %scan3A_90, %scan3A_91 : i32
      %scan3A_93 = arith.constant 1 : i32
      scf.for %scan3A_97 = %scan3A_90 to %scan3A_92 step %scan3A_93  : i32 {
        %mul3A_98 = arith.constant 64 : i32
        %mul3A_99 = arith.muli %scan3A_97, %mul3A_98 : i32
        %add3A_100 = arith.constant 0 : i32
        %add3A_101 = arith.addi %mul3A_99, %add3A_100 : i32
        %get3A = arith.index_cast %add3A_101 : i32 to index
        %get3A_102 = tpu.vector_load %arg10[%get3A] {strides = array<i32>} : memref<2048xf32, #tpu.memory_space<vmem>>, vector<16xf32>,
        %mul3A_103 = arith.constant 64 : i32
        %mul3A_104 = arith.muli %scan3A_97, %mul3A_103 : i32
        %add3A_105 = arith.constant 16 : i32
        %add3A_106 = arith.addi %mul3A_104, %add3A_105 : i32
        %get3A_107 = arith.index_cast %add3A_106 : i32 to index
        %get3A_108 = tpu.vector_load %arg10[%get3A_107] {strides = array<i32>} : memref<2048xf32, #tpu.memory_space<vmem>>, vector<16xf32>,
        %mul3A_109 = arith.constant 64 : i32
        %mul3A_110 = arith.muli %scan3A_97, %mul3A_109 : i32
        %add3A_111 = arith.constant 32 : i32
        %add3A_112 = arith.addi %mul3A_110, %add3A_111 : i32
        %get3A_113 = arith.index_cast %add3A_112 : i32 to index
        %get3A_114 = tpu.vector_load %arg10[%get3A_113] {strides = array<i32>} : memref<2048xf32, #tpu.memory_space<vmem>>, vector<16xf32>,
        %mul3A_115 = arith.constant 64 : i32
        %mul3A_116 = arith.muli %scan3A_97, %mul3A_115 : i32
        %add3A_117 = arith.constant 48 : i32
        %add3A_118 = arith.addi %mul3A_116, %add3A_117 : i32
        %get3A_119 = arith.index_cast %add3A_118 : i32 to index
        %get3A_120 = tpu.vector_load %arg10[%get3A_119] {strides = array<i32>} : memref<2048xf32, #tpu.memory_space<vmem>>, vector<16xf32>,
        %mul3A_121 = arith.constant 5 : i32
        %mul3A_122 = arith.muli %scan3A_97, %mul3A_121 : i32
        %add3A_123 = arith.constant 0 : i32
        %add3A_124 = arith.addi %mul3A_122, %add3A_123 : i32
        %mul3A_125 = arith.constant 2 : i32
        %mul3A_126 = arith.muli %add3A_124, %mul3A_125 : i32
        %mul3A_127 = arith.constant 5 : i32
        %mul3A_128 = arith.muli %scan3A_97, %mul3A_127 : i32
        %add3A_129 = arith.constant 0 : i32
        %add3A_130 = arith.addi %mul3A_128, %add3A_129 : i32
        %mul3A_131 = arith.constant 16 : i32
        %mul3A_132 = arith.muli %add3A_130, %mul3A_131 : i32
        %get3A_133 = arith.index_cast %mul3A_132 : i32 to index
        %get3A_134 = tpu.vector_load %arg11[%get3A_133] {strides = array<i32>} : memref<2560xf32, #tpu.memory_space<vmem>>, vector<16xf32>,
        %mul3A_135 = arith.constant 5 : i32
        %mul3A_136 = arith.muli %scan3A_97, %mul3A_135 : i32
        %add3A_137 = arith.constant 0 : i32
        %add3A_138 = arith.addi %mul3A_136, %add3A_137 : i32
        %mul3A_139 = arith.constant 16 : i32
        %mul3A_140 = arith.muli %add3A_138, %mul3A_139 : i32
        %get3A_141 = arith.index_cast %mul3A_140 : i32 to index
        %get3A_142 = tpu.vector_load %arg12[%get3A_141] {strides = array<i32>} : memref<2560xf32, #tpu.memory_space<vmem>>, vector<16xf32>,
        %get3A_143 = arith.index_cast %mul3A_126 : i32 to index
        %get3A_144 = arith.constant 0 : index
        %get3A_145 = tpu.vector_load %arg9[%get3A_143, %get3A_144] {strides = array<i32>} : memref<320x128xf32, #tpu.memory_space<vmem>>, vector<16xf32>,
        %add3A_146 = arith.constant 1 : i32
        %add3A_147 = arith.addi %mul3A_126, %add3A_146 : i32
        %get3A_148 = arith.index_cast %add3A_147 : i32 to index
        %get3A_149 = arith.constant 0 : index
        %get3A_150 = tpu.vector_load %arg9[%get3A_148, %get3A_149] {strides = array<i32>} : memref<320x128xf32, #tpu.memory_space<vmem>>, vector<16xf32>,
        %mul3A_151 = arith.mulf %get3A_134, %get3A_145 : vector<16xf32>
        %mul3A_152 = arith.mulf %get3A_142, %get3A_150 : vector<16xf32>
        %add3A_153 = arith.addf %mul3A_151, %mul3A_152 : vector<16xf32>
        %mul3A_154 = arith.mulf %get3A_102, %add3A_153 : vector<16xf32>
        %get3A_155 = arith.index_cast %mul3A_126 : i32 to index
        %get3A_156 = arith.constant 16 : index
        %get3A_157 = tpu.vector_load %arg9[%get3A_155, %get3A_156] {strides = array<i32>} : memref<320x128xf32, #tpu.memory_space<vmem>>, vector<16xf32>,
        %add3A_158 = arith.constant 1 : i32
        %add3A_159 = arith.addi %mul3A_126, %add3A_158 : i32
        %get3A_160 = arith.index_cast %add3A_159 : i32 to index
        %get3A_161 = arith.constant 16 : index
        %get3A_162 = tpu.vector_load %arg9[%get3A_160, %get3A_161] {strides = array<i32>} : memref<320x128xf32, #tpu.memory_space<vmem>>, vector<16xf32>,
        %mul3A_163 = arith.mulf %get3A_134, %get3A_157 : vector<16xf32>
        %mul3A_164 = arith.mulf %get3A_142, %get3A_162 : vector<16xf32>
        %add3A_165 = arith.addf %mul3A_163, %mul3A_164 : vector<16xf32>
        %mul3A_166 = arith.mulf %get3A_108, %add3A_165 : vector<16xf32>
        %get3A_167 = arith.index_cast %mul3A_126 : i32 to index
        %get3A_168 = arith.constant 32 : index
        %get3A_169 = tpu.vector_load %arg9[%get3A_167, %get3A_168] {strides = array<i32>} : memref<320x128xf32, #tpu.memory_space<vmem>>, vector<16xf32>,
        %add3A_170 = arith.constant 1 : i32
        %add3A_171 = arith.addi %mul3A_126, %add3A_170 : i32
        %get3A_172 = arith.index_cast %add3A_171 : i32 to index
        %get3A_173 = arith.constant 32 : index
        %get3A_174 = tpu.vector_load %arg9[%get3A_172, %get3A_173] {strides = array<i32>} : memref<320x128xf32, #tpu.memory_space<vmem>>, vector<16xf32>,
        %mul3A_175 = arith.mulf %get3A_134, %get3A_169 : vector<16xf32>
        %mul3A_176 = arith.mulf %get3A_142, %get3A_174 : vector<16xf32>
        %add3A_177 = arith.addf %mul3A_175, %mul3A_176 : vector<16xf32>
        %mul3A_178 = arith.mulf %get3A_114, %add3A_177 : vector<16xf32>
        %get3A_179 = arith.index_cast %mul3A_126 : i32 to index
        %get3A_180 = arith.constant 48 : index
        %get3A_181 = tpu.vector_load %arg9[%get3A_179, %get3A_180] {strides = array<i32>} : memref<320x128xf32, #tpu.memory_space<vmem>>, vector<16xf32>,
        %add3A_182 = arith.constant 1 : i32
        %add3A_183 = arith.addi %mul3A_126, %add3A_182 : i32
        %get3A_184 = arith.index_cast %add3A_183 : i32 to index
        %get3A_185 = arith.constant 48 : index
        %get3A_186 = tpu.vector_load %arg9[%get3A_184, %get3A_185] {strides = array<i32>} : memref<320x128xf32, #tpu.memory_space<vmem>>, vector<16xf32>,
        %mul3A_187 = arith.mulf %get3A_134, %get3A_181 : vector<16xf32>
        %mul3A_188 = arith.mulf %get3A_142, %get3A_186 : vector<16xf32>
        %add3A_189 = arith.addf %mul3A_187, %mul3A_188 : vector<16xf32>
        %mul3A_190 = arith.mulf %get3A_120, %add3A_189 : vector<16xf32>
        %add3A_191 = arith.addf %mul3A_154, %mul3A_166 : vector<16xf32>
        %add3A_192 = arith.addf %mul3A_178, %mul3A_190 : vector<16xf32>
        %add3A_193 = arith.addf %add3A_191, %add3A_192 : vector<16xf32>
        %mul3A_194 = arith.constant 400 : i32
        %mul3A_195 = arith.muli %scan3A_97, %mul3A_194 : i32
        %add3A_196 = arith.constant 0 : i32
        %add3A_197 = arith.addi %mul3A_195, %add3A_196 : i32
        %swap3A = arith.index_cast %add3A_197 : i32 to index
        %swap3A_198 = tpu.vector_load %arg13[%swap3A] {strides = array<i32>} : memref<12800xf32, #tpu.memory_space<vmem>>, vector<16xf32>,
        tpu.vector_store %arg13[%swap3A], %add3A_193 {strides = array<i32>} : memref<12800xf32, #tpu.memory_space<vmem>>, vector<16xf32>,
        %get3A_199 = arith.index_cast %mul3A_126 : i32 to index
        %get3A_200 = arith.constant 64 : index
        %get3A_201 = tpu.vector_load %arg9[%get3A_199, %get3A_200] {strides = array<i32>} : memref<320x128xf32, #tpu.memory_space<vmem>>, vector<16xf32>,
        %add3A_202 = arith.constant 1 : i32
        %add3A_203 = arith.addi %mul3A_126, %add3A_202 : i32
        %get3A_204 = arith.index_cast %add3A_203 : i32 to index
        %get3A_205 = arith.constant 64 : index
        %get3A_206 = tpu.vector_load %arg9[%get3A_204, %get3A_205] {strides = array<i32>} : memref<320x128xf32, #tpu.memory_space<vmem>>, vector<16xf32>,
        %mul3A_207 = arith.mulf %get3A_134, %get3A_201 : vector<16xf32>
        %mul3A_208 = arith.mulf %get3A_142, %get3A_206 : vector<16xf32>
        %add3A_209 = arith.addf %mul3A_207, %mul3A_208 : vector<16xf32>
        %mul3A_210 = arith.constant 400 : i32
        %mul3A_211 = arith.muli %scan3A_97, %mul3A_210 : i32
        %add3A_212 = arith.constant 80 : i32
        %add3A_213 = arith.addi %mul3A_211, %add3A_212 : i32
        %add3A_214 = arith.constant 0 : i32
        %add3A_215 = arith.addi %add3A_213, %add3A_214 : i32
        %add3A_216 = arith.constant 0 : i32
        %add3A_217 = arith.addi %add3A_215, %add3A_216 : i32
        %swap3A_218 = arith.index_cast %add3A_217 : i32 to index
        %swap3A_219 = tpu.vector_load %arg13[%swap3A_218] {strides = array<i32>} : memref<12800xf32, #tpu.memory_space<vmem>>, vector<16xf32>,
        tpu.vector_store %arg13[%swap3A_218], %add3A_209 {strides = array<i32>} : memref<12800xf32, #tpu.memory_space<vmem>>, vector<16xf32>,
        %get3A_220 = arith.index_cast %mul3A_126 : i32 to index
        %get3A_221 = arith.constant 80 : index
        %get3A_222 = tpu.vector_load %arg9[%get3A_220, %get3A_221] {strides = array<i32>} : memref<320x128xf32, #tpu.memory_space<vmem>>, vector<16xf32>,
        %add3A_223 = arith.constant 1 : i32
        %add3A_224 = arith.addi %mul3A_126, %add3A_223 : i32
        %get3A_225 = arith.index_cast %add3A_224 : i32 to index
        %get3A_226 = arith.constant 80 : index
        %get3A_227 = tpu.vector_load %arg9[%get3A_225, %get3A_226] {strides = array<i32>} : memref<320x128xf32, #tpu.memory_space<vmem>>, vector<16xf32>,
        %mul3A_228 = arith.mulf %get3A_134, %get3A_222 : vector<16xf32>
        %mul3A_229 = arith.mulf %get3A_142, %get3A_227 : vector<16xf32>
        %add3A_230 = arith.addf %mul3A_228, %mul3A_229 : vector<16xf32>
        %mul3A_231 = arith.constant 400 : i32
        %mul3A_232 = arith.muli %scan3A_97, %mul3A_231 : i32
        %add3A_233 = arith.constant 80 : i32
        %add3A_234 = arith.addi %mul3A_232, %add3A_233 : i32
        %add3A_235 = arith.constant 0 : i32
        %add3A_236 = arith.addi %add3A_234, %add3A_235 : i32
        %add3A_237 = arith.constant 16 : i32
        %add3A_238 = arith.addi %add3A_236, %add3A_237 : i32
        %swap3A_239 = arith.index_cast %add3A_238 : i32 to index
        %swap3A_240 = tpu.vector_load %arg13[%swap3A_239] {strides = array<i32>} : memref<12800xf32, #tpu.memory_space<vmem>>, vector<16xf32>,
        tpu.vector_store %arg13[%swap3A_239], %add3A_230 {strides = array<i32>} : memref<12800xf32, #tpu.memory_space<vmem>>, vector<16xf32>,
        %get3A_241 = arith.index_cast %mul3A_126 : i32 to index
        %get3A_242 = arith.constant 96 : index
        %get3A_243 = tpu.vector_load %arg9[%get3A_241, %get3A_242] {strides = array<i32>} : memref<320x128xf32, #tpu.memory_space<vmem>>, vector<16xf32>,
        %add3A_244 = arith.constant 1 : i32
        %add3A_245 = arith.addi %mul3A_126, %add3A_244 : i32
        %get3A_246 = arith.index_cast %add3A_245 : i32 to index
        %get3A_247 = arith.constant 96 : index
        %get3A_248 = tpu.vector_load %arg9[%get3A_246, %get3A_247] {strides = array<i32>} : memref<320x128xf32, #tpu.memory_space<vmem>>, vector<16xf32>,
        %mul3A_249 = arith.mulf %get3A_134, %get3A_243 : vector<16xf32>
        %mul3A_250 = arith.mulf %get3A_142, %get3A_248 : vector<16xf32>
        %add3A_251 = arith.addf %mul3A_249, %mul3A_250 : vector<16xf32>
        %mul3A_252 = arith.constant 400 : i32
        %mul3A_253 = arith.muli %scan3A_97, %mul3A_252 : i32
        %add3A_254 = arith.constant 80 : i32
        %add3A_255 = arith.addi %mul3A_253, %add3A_254 : i32
        %add3A_256 = arith.constant 0 : i32
        %add3A_257 = arith.addi %add3A_255, %add3A_256 : i32
        %add3A_258 = arith.constant 32 : i32
        %add3A_259 = arith.addi %add3A_257, %add3A_258 : i32
        %swap3A_260 = arith.index_cast %add3A_259 : i32 to index
        %swap3A_261 = tpu.vector_load %arg13[%swap3A_260] {strides = array<i32>} : memref<12800xf32, #tpu.memory_space<vmem>>, vector<16xf32>,
        tpu.vector_store %arg13[%swap3A_260], %add3A_251 {strides = array<i32>} : memref<12800xf32, #tpu.memory_space<vmem>>, vector<16xf32>,
        %get3A_262 = arith.index_cast %mul3A_126 : i32 to index
        %get3A_263 = arith.constant 112 : index
        %get3A_264 = tpu.vector_load %arg9[%get3A_262, %get3A_263] {strides = array<i32>} : memref<320x128xf32, #tpu.memory_space<vmem>>, vector<16xf32>,
        %add3A_265 = arith.constant 1 : i32
        %add3A_266 = arith.addi %mul3A_126, %add3A_265 : i32
        %get3A_267 = arith.index_cast %add3A_266 : i32 to index
        %get3A_268 = arith.constant 112 : index
        %get3A_269 = tpu.vector_load %arg9[%get3A_267, %get3A_268] {strides = array<i32>} : memref<320x128xf32, #tpu.memory_space<vmem>>, vector<16xf32>,
        %mul3A_270 = arith.mulf %get3A_134, %get3A_264 : vector<16xf32>
        %mul3A_271 = arith.mulf %get3A_142, %get3A_269 : vector<16xf32>
        %add3A_272 = arith.addf %mul3A_270, %mul3A_271 : vector<16xf32>
        %mul3A_273 = arith.constant 400 : i32
        %mul3A_274 = arith.muli %scan3A_97, %mul3A_273 : i32
        %add3A_275 = arith.constant 80 : i32
        %add3A_276 = arith.addi %mul3A_274, %add3A_275 : i32
        %add3A_277 = arith.constant 0 : i32
        %add3A_278 = arith.addi %add3A_276, %add3A_277 : i32
        %add3A_279 = arith.constant 48 : i32
        %add3A_280 = arith.addi %add3A_278, %add3A_279 : i32
        %swap3A_281 = arith.index_cast %add3A_280 : i32 to index
        %swap3A_282 = tpu.vector_load %arg13[%swap3A_281] {strides = array<i32>} : memref<12800xf32, #tpu.memory_space<vmem>>, vector<16xf32>,
        tpu.vector_store %arg13[%swap3A_281], %add3A_272 {strides = array<i32>} : memref<12800xf32, #tpu.memory_space<vmem>>, vector<16xf32>,
        %mul3A_283 = arith.constant 5 : i32
        %mul3A_284 = arith.muli %scan3A_97, %mul3A_283 : i32
        %add3A_285 = arith.constant 1 : i32
        %add3A_286 = arith.addi %mul3A_284, %add3A_285 : i32
        %mul3A_287 = arith.constant 2 : i32
        %mul3A_288 = arith.muli %add3A_286, %mul3A_287 : i32
        %mul3A_289 = arith.constant 5 : i32
        %mul3A_290 = arith.muli %scan3A_97, %mul3A_289 : i32
        %add3A_291 = arith.constant 1 : i32
        %add3A_292 = arith.addi %mul3A_290, %add3A_291 : i32
        %mul3A_293 = arith.constant 16 : i32
        %mul3A_294 = arith.muli %add3A_292, %mul3A_293 : i32
        %get3A_295 = arith.index_cast %mul3A_294 : i32 to index
        %get3A_296 = tpu.vector_load %arg11[%get3A_295] {strides = array<i32>} : memref<2560xf32, #tpu.memory_space<vmem>>, vector<16xf32>,
        %mul3A_297 = arith.constant 5 : i32
        %mul3A_298 = arith.muli %scan3A_97, %mul3A_297 : i32
        %add3A_299 = arith.constant 1 : i32
        %add3A_300 = arith.addi %mul3A_298, %add3A_299 : i32
        %mul3A_301 = arith.constant 16 : i32
        %mul3A_302 = arith.muli %add3A_300, %mul3A_301 : i32
        %get3A_303 = arith.index_cast %mul3A_302 : i32 to index
        %get3A_304 = tpu.vector_load %arg12[%get3A_303] {strides = array<i32>} : memref<2560xf32, #tpu.memory_space<vmem>>, vector<16xf32>,
        %get3A_305 = arith.index_cast %mul3A_288 : i32 to index
        %get3A_306 = arith.constant 0 : index
        %get3A_307 = tpu.vector_load %arg9[%get3A_305, %get3A_306] {strides = array<i32>} : memref<320x128xf32, #tpu.memory_space<vmem>>, vector<16xf32>,
        %add3A_308 = arith.constant 1 : i32
        %add3A_309 = arith.addi %mul3A_288, %add3A_308 : i32
        %get3A_310 = arith.index_cast %add3A_309 : i32 to index
        %get3A_311 = arith.constant 0 : index
        %get3A_312 = tpu.vector_load %arg9[%get3A_310, %get3A_311] {strides = array<i32>} : memref<320x128xf32, #tpu.memory_space<vmem>>, vector<16xf32>,
        %mul3A_313 = arith.mulf %get3A_296, %get3A_307 : vector<16xf32>
        %mul3A_314 = arith.mulf %get3A_304, %get3A_312 : vector<16xf32>
        %add3A_315 = arith.addf %mul3A_313, %mul3A_314 : vector<16xf32>
        %mul3A_316 = arith.mulf %get3A_102, %add3A_315 : vector<16xf32>
        %get3A_317 = arith.index_cast %mul3A_288 : i32 to index
        %get3A_318 = arith.constant 16 : index
        %get3A_319 = tpu.vector_load %arg9[%get3A_317, %get3A_318] {strides = array<i32>} : memref<320x128xf32, #tpu.memory_space<vmem>>, vector<16xf32>,
        %add3A_320 = arith.constant 1 : i32
        %add3A_321 = arith.addi %mul3A_288, %add3A_320 : i32
        %get3A_322 = arith.index_cast %add3A_321 : i32 to index
        %get3A_323 = arith.constant 16 : index
        %get3A_324 = tpu.vector_load %arg9[%get3A_322, %get3A_323] {strides = array<i32>} : memref<320x128xf32, #tpu.memory_space<vmem>>, vector<16xf32>,
        %mul3A_325 = arith.mulf %get3A_296, %get3A_319 : vector<16xf32>
        %mul3A_326 = arith.mulf %get3A_304, %get3A_324 : vector<16xf32>
        %add3A_327 = arith.addf %mul3A_325, %mul3A_326 : vector<16xf32>
        %mul3A_328 = arith.mulf %get3A_108, %add3A_327 : vector<16xf32>
        %get3A_329 = arith.index_cast %mul3A_288 : i32 to index
        %get3A_330 = arith.constant 32 : index
        %get3A_331 = tpu.vector_load %arg9[%get3A_329, %get3A_330] {strides = array<i32>} : memref<320x128xf32, #tpu.memory_space<vmem>>, vector<16xf32>,
        %add3A_332 = arith.constant 1 : i32
        %add3A_333 = arith.addi %mul3A_288, %add3A_332 : i32
        %get3A_334 = arith.index_cast %add3A_333 : i32 to index
        %get3A_335 = arith.constant 32 : index
        %get3A_336 = tpu.vector_load %arg9[%get3A_334, %get3A_335] {strides = array<i32>} : memref<320x128xf32, #tpu.memory_space<vmem>>, vector<16xf32>,
        %mul3A_337 = arith.mulf %get3A_296, %get3A_331 : vector<16xf32>
        %mul3A_338 = arith.mulf %get3A_304, %get3A_336 : vector<16xf32>
        %add3A_339 = arith.addf %mul3A_337, %mul3A_338 : vector<16xf32>
        %mul3A_340 = arith.mulf %get3A_114, %add3A_339 : vector<16xf32>
        %get3A_341 = arith.index_cast %mul3A_288 : i32 to index
        %get3A_342 = arith.constant 48 : index
        %get3A_343 = tpu.vector_load %arg9[%get3A_341, %get3A_342] {strides = array<i32>} : memref<320x128xf32, #tpu.memory_space<vmem>>, vector<16xf32>,
        %add3A_344 = arith.constant 1 : i32
        %add3A_345 = arith.addi %mul3A_288, %add3A_344 : i32
        %get3A_346 = arith.index_cast %add3A_345 : i32 to index
        %get3A_347 = arith.constant 48 : index
        %get3A_348 = tpu.vector_load %arg9[%get3A_346, %get3A_347] {strides = array<i32>} : memref<320x128xf32, #tpu.memory_space<vmem>>, vector<16xf32>,
        %mul3A_349 = arith.mulf %get3A_296, %get3A_343 : vector<16xf32>
        %mul3A_350 = arith.mulf %get3A_304, %get3A_348 : vector<16xf32>
        %add3A_351 = arith.addf %mul3A_349, %mul3A_350 : vector<16xf32>
        %mul3A_352 = arith.mulf %get3A_120, %add3A_351 : vector<16xf32>
        %add3A_353 = arith.addf %mul3A_316, %mul3A_328 : vector<16xf32>
        %add3A_354 = arith.addf %mul3A_340, %mul3A_352 : vector<16xf32>
        %add3A_355 = arith.addf %add3A_353, %add3A_354 : vector<16xf32>
        %mul3A_356 = arith.constant 400 : i32
        %mul3A_357 = arith.muli %scan3A_97, %mul3A_356 : i32
        %add3A_358 = arith.constant 16 : i32
        %add3A_359 = arith.addi %mul3A_357, %add3A_358 : i32
        %swap3A_360 = arith.index_cast %add3A_359 : i32 to index
        %swap3A_361 = tpu.vector_load %arg13[%swap3A_360] {strides = array<i32>} : memref<12800xf32, #tpu.memory_space<vmem>>, vector<16xf32>,
        tpu.vector_store %arg13[%swap3A_360], %add3A_355 {strides = array<i32>} : memref<12800xf32, #tpu.memory_space<vmem>>, vector<16xf32>,
        %get3A_362 = arith.index_cast %mul3A_288 : i32 to index
        %get3A_363 = arith.constant 64 : index
        %get3A_364 = tpu.vector_load %arg9[%get3A_362, %get3A_363] {strides = array<i32>} : memref<320x128xf32, #tpu.memory_space<vmem>>, vector<16xf32>,
        %add3A_365 = arith.constant 1 : i32
        %add3A_366 = arith.addi %mul3A_288, %add3A_365 : i32
        %get3A_367 = arith.index_cast %add3A_366 : i32 to index
        %get3A_368 = arith.constant 64 : index
        %get3A_369 = tpu.vector_load %arg9[%get3A_367, %get3A_368] {strides = array<i32>} : memref<320x128xf32, #tpu.memory_space<vmem>>, vector<16xf32>,
        %mul3A_370 = arith.mulf %get3A_296, %get3A_364 : vector<16xf32>
        %mul3A_371 = arith.mulf %get3A_304, %get3A_369 : vector<16xf32>
        %add3A_372 = arith.addf %mul3A_370, %mul3A_371 : vector<16xf32>
        %mul3A_373 = arith.constant 400 : i32
        %mul3A_374 = arith.muli %scan3A_97, %mul3A_373 : i32
        %add3A_375 = arith.constant 80 : i32
        %add3A_376 = arith.addi %mul3A_374, %add3A_375 : i32
        %add3A_377 = arith.constant 64 : i32
        %add3A_378 = arith.addi %add3A_376, %add3A_377 : i32
        %add3A_379 = arith.constant 0 : i32
        %add3A_380 = arith.addi %add3A_378, %add3A_379 : i32
        %swap3A_381 = arith.index_cast %add3A_380 : i32 to index
        %swap3A_382 = tpu.vector_load %arg13[%swap3A_381] {strides = array<i32>} : memref<12800xf32, #tpu.memory_space<vmem>>, vector<16xf32>,
        tpu.vector_store %arg13[%swap3A_381], %add3A_372 {strides = array<i32>} : memref<12800xf32, #tpu.memory_space<vmem>>, vector<16xf32>,
        %get3A_383 = arith.index_cast %mul3A_288 : i32 to index
        %get3A_384 = arith.constant 80 : index
        %get3A_385 = tpu.vector_load %arg9[%get3A_383, %get3A_384] {strides = array<i32>} : memref<320x128xf32, #tpu.memory_space<vmem>>, vector<16xf32>,
        %add3A_386 = arith.constant 1 : i32
        %add3A_387 = arith.addi %mul3A_288, %add3A_386 : i32
        %get3A_388 = arith.index_cast %add3A_387 : i32 to index
        %get3A_389 = arith.constant 80 : index
        %get3A_390 = tpu.vector_load %arg9[%get3A_388, %get3A_389] {strides = array<i32>} : memref<320x128xf32, #tpu.memory_space<vmem>>, vector<16xf32>,
        %mul3A_391 = arith.mulf %get3A_296, %get3A_385 : vector<16xf32>
        %mul3A_392 = arith.mulf %get3A_304, %get3A_390 : vector<16xf32>
        %add3A_393 = arith.addf %mul3A_391, %mul3A_392 : vector<16xf32>
        %mul3A_394 = arith.constant 400 : i32
        %mul3A_395 = arith.muli %scan3A_97, %mul3A_394 : i32
        %add3A_396 = arith.constant 80 : i32
        %add3A_397 = arith.addi %mul3A_395, %add3A_396 : i32
        %add3A_398 = arith.constant 64 : i32
        %add3A_399 = arith.addi %add3A_397, %add3A_398 : i32
        %add3A_400 = arith.constant 16 : i32
        %add3A_401 = arith.addi %add3A_399, %add3A_400 : i32
        %swap3A_402 = arith.index_cast %add3A_401 : i32 to index
        %swap3A_403 = tpu.vector_load %arg13[%swap3A_402] {strides = array<i32>} : memref<12800xf32, #tpu.memory_space<vmem>>, vector<16xf32>,
        tpu.vector_store %arg13[%swap3A_402], %add3A_393 {strides = array<i32>} : memref<12800xf32, #tpu.memory_space<vmem>>, vector<16xf32>,
        %get3A_404 = arith.index_cast %mul3A_288 : i32 to index
        %get3A_405 = arith.constant 96 : index
        %get3A_406 = tpu.vector_load %arg9[%get3A_404, %get3A_405] {strides = array<i32>} : memref<320x128xf32, #tpu.memory_space<vmem>>, vector<16xf32>,
        %add3A_407 = arith.constant 1 : i32
        %add3A_408 = arith.addi %mul3A_288, %add3A_407 : i32
        %get3A_409 = arith.index_cast %add3A_408 : i32 to index
        %get3A_410 = arith.constant 96 : index
        %get3A_411 = tpu.vector_load %arg9[%get3A_409, %get3A_410] {strides = array<i32>} : memref<320x128xf32, #tpu.memory_space<vmem>>, vector<16xf32>,
        %mul3A_412 = arith.mulf %get3A_296, %get3A_406 : vector<16xf32>
        %mul3A_413 = arith.mulf %get3A_304, %get3A_411 : vector<16xf32>
        %add3A_414 = arith.addf %mul3A_412, %mul3A_413 : vector<16xf32>
        %mul3A_415 = arith.constant 400 : i32
        %mul3A_416 = arith.muli %scan3A_97, %mul3A_415 : i32
        %add3A_417 = arith.constant 80 : i32
        %add3A_418 = arith.addi %mul3A_416, %add3A_417 : i32
        %add3A_419 = arith.constant 64 : i32
        %add3A_420 = arith.addi %add3A_418, %add3A_419 : i32
        %add3A_421 = arith.constant 32 : i32
        %add3A_422 = arith.addi %add3A_420, %add3A_421 : i32
        %swap3A_423 = arith.index_cast %add3A_422 : i32 to index
        %swap3A_424 = tpu.vector_load %arg13[%swap3A_423] {strides = array<i32>} : memref<12800xf32, #tpu.memory_space<vmem>>, vector<16xf32>,
        tpu.vector_store %arg13[%swap3A_423], %add3A_414 {strides = array<i32>} : memref<12800xf32, #tpu.memory_space<vmem>>, vector<16xf32>,
        %get3A_425 = arith.index_cast %mul3A_288 : i32 to index
        %get3A_426 = arith.constant 112 : index
        %get3A_427 = tpu.vector_load %arg9[%get3A_425, %get3A_426] {strides = array<i32>} : memref<320x128xf32, #tpu.memory_space<vmem>>, vector<16xf32>,
        %add3A_428 = arith.constant 1 : i32
        %add3A_429 = arith.addi %mul3A_288, %add3A_428 : i32
        %get3A_430 = arith.index_cast %add3A_429 : i32 to index
        %get3A_431 = arith.constant 112 : index
        %get3A_432 = tpu.vector_load %arg9[%get3A_430, %get3A_431] {strides = array<i32>} : memref<320x128xf32, #tpu.memory_space<vmem>>, vector<16xf32>,
        %mul3A_433 = arith.mulf %get3A_296, %get3A_427 : vector<16xf32>
        %mul3A_434 = arith.mulf %get3A_304, %get3A_432 : vector<16xf32>
        %add3A_435 = arith.addf %mul3A_433, %mul3A_434 : vector<16xf32>
        %mul3A_436 = arith.constant 400 : i32
        %mul3A_437 = arith.muli %scan3A_97, %mul3A_436 : i32
        %add3A_438 = arith.constant 80 : i32
        %add3A_439 = arith.addi %mul3A_437, %add3A_438 : i32
        %add3A_440 = arith.constant 64 : i32
        %add3A_441 = arith.addi %add3A_439, %add3A_440 : i32
        %add3A_442 = arith.constant 48 : i32
        %add3A_443 = arith.addi %add3A_441, %add3A_442 : i32
        %swap3A_444 = arith.index_cast %add3A_443 : i32 to index
        %swap3A_445 = tpu.vector_load %arg13[%swap3A_444] {strides = array<i32>} : memref<12800xf32, #tpu.memory_space<vmem>>, vector<16xf32>,
        tpu.vector_store %arg13[%swap3A_444], %add3A_435 {strides = array<i32>} : memref<12800xf32, #tpu.memory_space<vmem>>, vector<16xf32>,
        %mul3A_446 = arith.constant 5 : i32
        %mul3A_447 = arith.muli %scan3A_97, %mul3A_446 : i32
        %add3A_448 = arith.constant 2 : i32
        %add3A_449 = arith.addi %mul3A_447, %add3A_448 : i32
        %mul3A_450 = arith.constant 2 : i32
        %mul3A_451 = arith.muli %add3A_449, %mul3A_450 : i32
        %mul3A_452 = arith.constant 5 : i32
        %mul3A_453 = arith.muli %scan3A_97, %mul3A_452 : i32
        %add3A_454 = arith.constant 2 : i32
        %add3A_455 = arith.addi %mul3A_453, %add3A_454 : i32
        %mul3A_456 = arith.constant 16 : i32
        %mul3A_457 = arith.muli %add3A_455, %mul3A_456 : i32
        %get3A_458 = arith.index_cast %mul3A_457 : i32 to index
        %get3A_459 = tpu.vector_load %arg11[%get3A_458] {strides = array<i32>} : memref<2560xf32, #tpu.memory_space<vmem>>, vector<16xf32>,
        %mul3A_460 = arith.constant 5 : i32
        %mul3A_461 = arith.muli %scan3A_97, %mul3A_460 : i32
        %add3A_462 = arith.constant 2 : i32
        %add3A_463 = arith.addi %mul3A_461, %add3A_462 : i32
        %mul3A_464 = arith.constant 16 : i32
        %mul3A_465 = arith.muli %add3A_463, %mul3A_464 : i32
        %get3A_466 = arith.index_cast %mul3A_465 : i32 to index
        %get3A_467 = tpu.vector_load %arg12[%get3A_466] {strides = array<i32>} : memref<2560xf32, #tpu.memory_space<vmem>>, vector<16xf32>,
        %get3A_468 = arith.index_cast %mul3A_451 : i32 to index
        %get3A_469 = arith.constant 0 : index
        %get3A_470 = tpu.vector_load %arg9[%get3A_468, %get3A_469] {strides = array<i32>} : memref<320x128xf32, #tpu.memory_space<vmem>>, vector<16xf32>,
        %add3A_471 = arith.constant 1 : i32
        %add3A_472 = arith.addi %mul3A_451, %add3A_471 : i32
        %get3A_473 = arith.index_cast %add3A_472 : i32 to index
        %get3A_474 = arith.constant 0 : index
        %get3A_475 = tpu.vector_load %arg9[%get3A_473, %get3A_474] {strides = array<i32>} : memref<320x128xf32, #tpu.memory_space<vmem>>, vector<16xf32>,
        %mul3A_476 = arith.mulf %get3A_459, %get3A_470 : vector<16xf32>
        %mul3A_477 = arith.mulf %get3A_467, %get3A_475 : vector<16xf32>
        %add3A_478 = arith.addf %mul3A_476, %mul3A_477 : vector<16xf32>
        %mul3A_479 = arith.mulf %get3A_102, %add3A_478 : vector<16xf32>
        %get3A_480 = arith.index_cast %mul3A_451 : i32 to index
        %get3A_481 = arith.constant 16 : index
        %get3A_482 = tpu.vector_load %arg9[%get3A_480, %get3A_481] {strides = array<i32>} : memref<320x128xf32, #tpu.memory_space<vmem>>, vector<16xf32>,
        %add3A_483 = arith.constant 1 : i32
        %add3A_484 = arith.addi %mul3A_451, %add3A_483 : i32
        %get3A_485 = arith.index_cast %add3A_484 : i32 to index
        %get3A_486 = arith.constant 16 : index
        %get3A_487 = tpu.vector_load %arg9[%get3A_485, %get3A_486] {strides = array<i32>} : memref<320x128xf32, #tpu.memory_space<vmem>>, vector<16xf32>,
        %mul3A_488 = arith.mulf %get3A_459, %get3A_482 : vector<16xf32>
        %mul3A_489 = arith.mulf %get3A_467, %get3A_487 : vector<16xf32>
        %add3A_490 = arith.addf %mul3A_488, %mul3A_489 : vector<16xf32>
        %mul3A_491 = arith.mulf %get3A_108, %add3A_490 : vector<16xf32>
        %get3A_492 = arith.index_cast %mul3A_451 : i32 to index
        %get3A_493 = arith.constant 32 : index
        %get3A_494 = tpu.vector_load %arg9[%get3A_492, %get3A_493] {strides = array<i32>} : memref<320x128xf32, #tpu.memory_space<vmem>>, vector<16xf32>,
        %add3A_495 = arith.constant 1 : i32
        %add3A_496 = arith.addi %mul3A_451, %add3A_495 : i32
        %get3A_497 = arith.index_cast %add3A_496 : i32 to index
        %get3A_498 = arith.constant 32 : index
        %get3A_499 = tpu.vector_load %arg9[%get3A_497, %get3A_498] {strides = array<i32>} : memref<320x128xf32, #tpu.memory_space<vmem>>, vector<16xf32>,
        %mul3A_500 = arith.mulf %get3A_459, %get3A_494 : vector<16xf32>
        %mul3A_501 = arith.mulf %get3A_467, %get3A_499 : vector<16xf32>
        %add3A_502 = arith.addf %mul3A_500, %mul3A_501 : vector<16xf32>
        %mul3A_503 = arith.mulf %get3A_114, %add3A_502 : vector<16xf32>
        %get3A_504 = arith.index_cast %mul3A_451 : i32 to index
        %get3A_505 = arith.constant 48 : index
        %get3A_506 = tpu.vector_load %arg9[%get3A_504, %get3A_505] {strides = array<i32>} : memref<320x128xf32, #tpu.memory_space<vmem>>, vector<16xf32>,
        %add3A_507 = arith.constant 1 : i32
        %add3A_508 = arith.addi %mul3A_451, %add3A_507 : i32
        %get3A_509 = arith.index_cast %add3A_508 : i32 to index
        %get3A_510 = arith.constant 48 : index
        %get3A_511 = tpu.vector_load %arg9[%get3A_509, %get3A_510] {strides = array<i32>} : memref<320x128xf32, #tpu.memory_space<vmem>>, vector<16xf32>,
        %mul3A_512 = arith.mulf %get3A_459, %get3A_506 : vector<16xf32>
        %mul3A_513 = arith.mulf %get3A_467, %get3A_511 : vector<16xf32>
        %add3A_514 = arith.addf %mul3A_512, %mul3A_513 : vector<16xf32>
        %mul3A_515 = arith.mulf %get3A_120, %add3A_514 : vector<16xf32>
        %add3A_516 = arith.addf %mul3A_479, %mul3A_491 : vector<16xf32>
        %add3A_517 = arith.addf %mul3A_503, %mul3A_515 : vector<16xf32>
        %add3A_518 = arith.addf %add3A_516, %add3A_517 : vector<16xf32>
        %mul3A_519 = arith.constant 400 : i32
        %mul3A_520 = arith.muli %scan3A_97, %mul3A_519 : i32
        %add3A_521 = arith.constant 32 : i32
        %add3A_522 = arith.addi %mul3A_520, %add3A_521 : i32
        %swap3A_523 = arith.index_cast %add3A_522 : i32 to index
        %swap3A_524 = tpu.vector_load %arg13[%swap3A_523] {strides = array<i32>} : memref<12800xf32, #tpu.memory_space<vmem>>, vector<16xf32>,
        tpu.vector_store %arg13[%swap3A_523], %add3A_518 {strides = array<i32>} : memref<12800xf32, #tpu.memory_space<vmem>>, vector<16xf32>,
        %get3A_525 = arith.index_cast %mul3A_451 : i32 to index
        %get3A_526 = arith.constant 64 : index
        %get3A_527 = tpu.vector_load %arg9[%get3A_525, %get3A_526] {strides = array<i32>} : memref<320x128xf32, #tpu.memory_space<vmem>>, vector<16xf32>,
        %add3A_528 = arith.constant 1 : i32
        %add3A_529 = arith.addi %mul3A_451, %add3A_528 : i32
        %get3A_530 = arith.index_cast %add3A_529 : i32 to index
        %get3A_531 = arith.constant 64 : index
        %get3A_532 = tpu.vector_load %arg9[%get3A_530, %get3A_531] {strides = array<i32>} : memref<320x128xf32, #tpu.memory_space<vmem>>, vector<16xf32>,
        %mul3A_533 = arith.mulf %get3A_459, %get3A_527 : vector<16xf32>
        %mul3A_534 = arith.mulf %get3A_467, %get3A_532 : vector<16xf32>
        %add3A_535 = arith.addf %mul3A_533, %mul3A_534 : vector<16xf32>
        %mul3A_536 = arith.constant 400 : i32
        %mul3A_537 = arith.muli %scan3A_97, %mul3A_536 : i32
        %add3A_538 = arith.constant 80 : i32
        %add3A_539 = arith.addi %mul3A_537, %add3A_538 : i32
        %add3A_540 = arith.constant 128 : i32
        %add3A_541 = arith.addi %add3A_539, %add3A_540 : i32
        %add3A_542 = arith.constant 0 : i32
        %add3A_543 = arith.addi %add3A_541, %add3A_542 : i32
        %swap3A_544 = arith.index_cast %add3A_543 : i32 to index
        %swap3A_545 = tpu.vector_load %arg13[%swap3A_544] {strides = array<i32>} : memref<12800xf32, #tpu.memory_space<vmem>>, vector<16xf32>,
        tpu.vector_store %arg13[%swap3A_544], %add3A_535 {strides = array<i32>} : memref<12800xf32, #tpu.memory_space<vmem>>, vector<16xf32>,
        %get3A_546 = arith.index_cast %mul3A_451 : i32 to index
        %get3A_547 = arith.constant 80 : index
        %get3A_548 = tpu.vector_load %arg9[%get3A_546, %get3A_547] {strides = array<i32>} : memref<320x128xf32, #tpu.memory_space<vmem>>, vector<16xf32>,
        %add3A_549 = arith.constant 1 : i32
        %add3A_550 = arith.addi %mul3A_451, %add3A_549 : i32
        %get3A_551 = arith.index_cast %add3A_550 : i32 to index
        %get3A_552 = arith.constant 80 : index
        %get3A_553 = tpu.vector_load %arg9[%get3A_551, %get3A_552] {strides = array<i32>} : memref<320x128xf32, #tpu.memory_space<vmem>>, vector<16xf32>,
        %mul3A_554 = arith.mulf %get3A_459, %get3A_548 : vector<16xf32>
        %mul3A_555 = arith.mulf %get3A_467, %get3A_553 : vector<16xf32>
        %add3A_556 = arith.addf %mul3A_554, %mul3A_555 : vector<16xf32>
        %mul3A_557 = arith.constant 400 : i32
        %mul3A_558 = arith.muli %scan3A_97, %mul3A_557 : i32
        %add3A_559 = arith.constant 80 : i32
        %add3A_560 = arith.addi %mul3A_558, %add3A_559 : i32
        %add3A_561 = arith.constant 128 : i32
        %add3A_562 = arith.addi %add3A_560, %add3A_561 : i32
        %add3A_563 = arith.constant 16 : i32
        %add3A_564 = arith.addi %add3A_562, %add3A_563 : i32
        %swap3A_565 = arith.index_cast %add3A_564 : i32 to index
        %swap3A_566 = tpu.vector_load %arg13[%swap3A_565] {strides = array<i32>} : memref<12800xf32, #tpu.memory_space<vmem>>, vector<16xf32>,
        tpu.vector_store %arg13[%swap3A_565], %add3A_556 {strides = array<i32>} : memref<12800xf32, #tpu.memory_space<vmem>>, vector<16xf32>,
        %get3A_567 = arith.index_cast %mul3A_451 : i32 to index
        %get3A_568 = arith.constant 96 : index
        %get3A_569 = tpu.vector_load %arg9[%get3A_567, %get3A_568] {strides = array<i32>} : memref<320x128xf32, #tpu.memory_space<vmem>>, vector<16xf32>,
        %add3A_570 = arith.constant 1 : i32
        %add3A_571 = arith.addi %mul3A_451, %add3A_570 : i32
        %get3A_572 = arith.index_cast %add3A_571 : i32 to index
        %get3A_573 = arith.constant 96 : index
        %get3A_574 = tpu.vector_load %arg9[%get3A_572, %get3A_573] {strides = array<i32>} : memref<320x128xf32, #tpu.memory_space<vmem>>, vector<16xf32>,
        %mul3A_575 = arith.mulf %get3A_459, %get3A_569 : vector<16xf32>
        %mul3A_576 = arith.mulf %get3A_467, %get3A_574 : vector<16xf32>
        %add3A_577 = arith.addf %mul3A_575, %mul3A_576 : vector<16xf32>
        %mul3A_578 = arith.constant 400 : i32
        %mul3A_579 = arith.muli %scan3A_97, %mul3A_578 : i32
        %add3A_580 = arith.constant 80 : i32
        %add3A_581 = arith.addi %mul3A_579, %add3A_580 : i32
        %add3A_582 = arith.constant 128 : i32
        %add3A_583 = arith.addi %add3A_581, %add3A_582 : i32
        %add3A_584 = arith.constant 32 : i32
        %add3A_585 = arith.addi %add3A_583, %add3A_584 : i32
        %swap3A_586 = arith.index_cast %add3A_585 : i32 to index
        %swap3A_587 = tpu.vector_load %arg13[%swap3A_586] {strides = array<i32>} : memref<12800xf32, #tpu.memory_space<vmem>>, vector<16xf32>,
        tpu.vector_store %arg13[%swap3A_586], %add3A_577 {strides = array<i32>} : memref<12800xf32, #tpu.memory_space<vmem>>, vector<16xf32>,
        %get3A_588 = arith.index_cast %mul3A_451 : i32 to index
        %get3A_589 = arith.constant 112 : index
        %get3A_590 = tpu.vector_load %arg9[%get3A_588, %get3A_589] {strides = array<i32>} : memref<320x128xf32, #tpu.memory_space<vmem>>, vector<16xf32>,
        %add3A_591 = arith.constant 1 : i32
        %add3A_592 = arith.addi %mul3A_451, %add3A_591 : i32
        %get3A_593 = arith.index_cast %add3A_592 : i32 to index
        %get3A_594 = arith.constant 112 : index
        %get3A_595 = tpu.vector_load %arg9[%get3A_593, %get3A_594] {strides = array<i32>} : memref<320x128xf32, #tpu.memory_space<vmem>>, vector<16xf32>,
        %mul3A_596 = arith.mulf %get3A_459, %get3A_590 : vector<16xf32>
        %mul3A_597 = arith.mulf %get3A_467, %get3A_595 : vector<16xf32>
        %add3A_598 = arith.addf %mul3A_596, %mul3A_597 : vector<16xf32>
        %mul3A_599 = arith.constant 400 : i32
        %mul3A_600 = arith.muli %scan3A_97, %mul3A_599 : i32
        %add3A_601 = arith.constant 80 : i32
        %add3A_602 = arith.addi %mul3A_600, %add3A_601 : i32
        %add3A_603 = arith.constant 128 : i32
        %add3A_604 = arith.addi %add3A_602, %add3A_603 : i32
        %add3A_605 = arith.constant 48 : i32
        %add3A_606 = arith.addi %add3A_604, %add3A_605 : i32
        %swap3A_607 = arith.index_cast %add3A_606 : i32 to index
        %swap3A_608 = tpu.vector_load %arg13[%swap3A_607] {strides = array<i32>} : memref<12800xf32, #tpu.memory_space<vmem>>, vector<16xf32>,
        tpu.vector_store %arg13[%swap3A_607], %add3A_598 {strides = array<i32>} : memref<12800xf32, #tpu.memory_space<vmem>>, vector<16xf32>,
        %mul3A_609 = arith.constant 5 : i32
        %mul3A_610 = arith.muli %scan3A_97, %mul3A_609 : i32
        %add3A_611 = arith.constant 3 : i32
        %add3A_612 = arith.addi %mul3A_610, %add3A_611 : i32
        %mul3A_613 = arith.constant 2 : i32
        %mul3A_614 = arith.muli %add3A_612, %mul3A_613 : i32
        %mul3A_615 = arith.constant 5 : i32
        %mul3A_616 = arith.muli %scan3A_97, %mul3A_615 : i32
        %add3A_617 = arith.constant 3 : i32
        %add3A_618 = arith.addi %mul3A_616, %add3A_617 : i32
        %mul3A_619 = arith.constant 16 : i32
        %mul3A_620 = arith.muli %add3A_618, %mul3A_619 : i32
        %get3A_621 = arith.index_cast %mul3A_620 : i32 to index
        %get3A_622 = tpu.vector_load %arg11[%get3A_621] {strides = array<i32>} : memref<2560xf32, #tpu.memory_space<vmem>>, vector<16xf32>,
        %mul3A_623 = arith.constant 5 : i32
        %mul3A_624 = arith.muli %scan3A_97, %mul3A_623 : i32
        %add3A_625 = arith.constant 3 : i32
        %add3A_626 = arith.addi %mul3A_624, %add3A_625 : i32
        %mul3A_627 = arith.constant 16 : i32
        %mul3A_628 = arith.muli %add3A_626, %mul3A_627 : i32
        %get3A_629 = arith.index_cast %mul3A_628 : i32 to index
        %get3A_630 = tpu.vector_load %arg12[%get3A_629] {strides = array<i32>} : memref<2560xf32, #tpu.memory_space<vmem>>, vector<16xf32>,
        %get3A_631 = arith.index_cast %mul3A_614 : i32 to index
        %get3A_632 = arith.constant 0 : index
        %get3A_633 = tpu.vector_load %arg9[%get3A_631, %get3A_632] {strides = array<i32>} : memref<320x128xf32, #tpu.memory_space<vmem>>, vector<16xf32>,
        %add3A_634 = arith.constant 1 : i32
        %add3A_635 = arith.addi %mul3A_614, %add3A_634 : i32
        %get3A_636 = arith.index_cast %add3A_635 : i32 to index
        %get3A_637 = arith.constant 0 : index
        %get3A_638 = tpu.vector_load %arg9[%get3A_636, %get3A_637] {strides = array<i32>} : memref<320x128xf32, #tpu.memory_space<vmem>>, vector<16xf32>,
        %mul3A_639 = arith.mulf %get3A_622, %get3A_633 : vector<16xf32>
        %mul3A_640 = arith.mulf %get3A_630, %get3A_638 : vector<16xf32>
        %add3A_641 = arith.addf %mul3A_639, %mul3A_640 : vector<16xf32>
        %mul3A_642 = arith.mulf %get3A_102, %add3A_641 : vector<16xf32>
        %get3A_643 = arith.index_cast %mul3A_614 : i32 to index
        %get3A_644 = arith.constant 16 : index
        %get3A_645 = tpu.vector_load %arg9[%get3A_643, %get3A_644] {strides = array<i32>} : memref<320x128xf32, #tpu.memory_space<vmem>>, vector<16xf32>,
        %add3A_646 = arith.constant 1 : i32
        %add3A_647 = arith.addi %mul3A_614, %add3A_646 : i32
        %get3A_648 = arith.index_cast %add3A_647 : i32 to index
        %get3A_649 = arith.constant 16 : index
        %get3A_650 = tpu.vector_load %arg9[%get3A_648, %get3A_649] {strides = array<i32>} : memref<320x128xf32, #tpu.memory_space<vmem>>, vector<16xf32>,
        %mul3A_651 = arith.mulf %get3A_622, %get3A_645 : vector<16xf32>
        %mul3A_652 = arith.mulf %get3A_630, %get3A_650 : vector<16xf32>
        %add3A_653 = arith.addf %mul3A_651, %mul3A_652 : vector<16xf32>
        %mul3A_654 = arith.mulf %get3A_108, %add3A_653 : vector<16xf32>
        %get3A_655 = arith.index_cast %mul3A_614 : i32 to index
        %get3A_656 = arith.constant 32 : index
        %get3A_657 = tpu.vector_load %arg9[%get3A_655, %get3A_656] {strides = array<i32>} : memref<320x128xf32, #tpu.memory_space<vmem>>, vector<16xf32>,
        %add3A_658 = arith.constant 1 : i32
        %add3A_659 = arith.addi %mul3A_614, %add3A_658 : i32
        %get3A_660 = arith.index_cast %add3A_659 : i32 to index
        %get3A_661 = arith.constant 32 : index
        %get3A_662 = tpu.vector_load %arg9[%get3A_660, %get3A_661] {strides = array<i32>} : memref<320x128xf32, #tpu.memory_space<vmem>>, vector<16xf32>,
        %mul3A_663 = arith.mulf %get3A_622, %get3A_657 : vector<16xf32>
        %mul3A_664 = arith.mulf %get3A_630, %get3A_662 : vector<16xf32>
        %add3A_665 = arith.addf %mul3A_663, %mul3A_664 : vector<16xf32>
        %mul3A_666 = arith.mulf %get3A_114, %add3A_665 : vector<16xf32>
        %get3A_667 = arith.index_cast %mul3A_614 : i32 to index
        %get3A_668 = arith.constant 48 : index
        %get3A_669 = tpu.vector_load %arg9[%get3A_667, %get3A_668] {strides = array<i32>} : memref<320x128xf32, #tpu.memory_space<vmem>>, vector<16xf32>,
        %add3A_670 = arith.constant 1 : i32
        %add3A_671 = arith.addi %mul3A_614, %add3A_670 : i32
        %get3A_672 = arith.index_cast %add3A_671 : i32 to index
        %get3A_673 = arith.constant 48 : index
        %get3A_674 = tpu.vector_load %arg9[%get3A_672, %get3A_673] {strides = array<i32>} : memref<320x128xf32, #tpu.memory_space<vmem>>, vector<16xf32>,
        %mul3A_675 = arith.mulf %get3A_622, %get3A_669 : vector<16xf32>
        %mul3A_676 = arith.mulf %get3A_630, %get3A_674 : vector<16xf32>
        %add3A_677 = arith.addf %mul3A_675, %mul3A_676 : vector<16xf32>
        %mul3A_678 = arith.mulf %get3A_120, %add3A_677 : vector<16xf32>
        %add3A_679 = arith.addf %mul3A_642, %mul3A_654 : vector<16xf32>
        %add3A_680 = arith.addf %mul3A_666, %mul3A_678 : vector<16xf32>
        %add3A_681 = arith.addf %add3A_679, %add3A_680 : vector<16xf32>
        %mul3A_682 = arith.constant 400 : i32
        %mul3A_683 = arith.muli %scan3A_97, %mul3A_682 : i32
        %add3A_684 = arith.constant 48 : i32
        %add3A_685 = arith.addi %mul3A_683, %add3A_684 : i32
        %swap3A_686 = arith.index_cast %add3A_685 : i32 to index
        %swap3A_687 = tpu.vector_load %arg13[%swap3A_686] {strides = array<i32>} : memref<12800xf32, #tpu.memory_space<vmem>>, vector<16xf32>,
        tpu.vector_store %arg13[%swap3A_686], %add3A_681 {strides = array<i32>} : memref<12800xf32, #tpu.memory_space<vmem>>, vector<16xf32>,
        %get3A_688 = arith.index_cast %mul3A_614 : i32 to index
        %get3A_689 = arith.constant 64 : index
        %get3A_690 = tpu.vector_load %arg9[%get3A_688, %get3A_689] {strides = array<i32>} : memref<320x128xf32, #tpu.memory_space<vmem>>, vector<16xf32>,
        %add3A_691 = arith.constant 1 : i32
        %add3A_692 = arith.addi %mul3A_614, %add3A_691 : i32
        %get3A_693 = arith.index_cast %add3A_692 : i32 to index
        %get3A_694 = arith.constant 64 : index
        %get3A_695 = tpu.vector_load %arg9[%get3A_693, %get3A_694] {strides = array<i32>} : memref<320x128xf32, #tpu.memory_space<vmem>>, vector<16xf32>,
        %mul3A_696 = arith.mulf %get3A_622, %get3A_690 : vector<16xf32>
        %mul3A_697 = arith.mulf %get3A_630, %get3A_695 : vector<16xf32>
        %add3A_698 = arith.addf %mul3A_696, %mul3A_697 : vector<16xf32>
        %mul3A_699 = arith.constant 400 : i32
        %mul3A_700 = arith.muli %scan3A_97, %mul3A_699 : i32
        %add3A_701 = arith.constant 80 : i32
        %add3A_702 = arith.addi %mul3A_700, %add3A_701 : i32
        %add3A_703 = arith.constant 192 : i32
        %add3A_704 = arith.addi %add3A_702, %add3A_703 : i32
        %add3A_705 = arith.constant 0 : i32
        %add3A_706 = arith.addi %add3A_704, %add3A_705 : i32
        %swap3A_707 = arith.index_cast %add3A_706 : i32 to index
        %swap3A_708 = tpu.vector_load %arg13[%swap3A_707] {strides = array<i32>} : memref<12800xf32, #tpu.memory_space<vmem>>, vector<16xf32>,
        tpu.vector_store %arg13[%swap3A_707], %add3A_698 {strides = array<i32>} : memref<12800xf32, #tpu.memory_space<vmem>>, vector<16xf32>,
        %get3A_709 = arith.index_cast %mul3A_614 : i32 to index
        %get3A_710 = arith.constant 80 : index
        %get3A_711 = tpu.vector_load %arg9[%get3A_709, %get3A_710] {strides = array<i32>} : memref<320x128xf32, #tpu.memory_space<vmem>>, vector<16xf32>,
        %add3A_712 = arith.constant 1 : i32
        %add3A_713 = arith.addi %mul3A_614, %add3A_712 : i32
        %get3A_714 = arith.index_cast %add3A_713 : i32 to index
        %get3A_715 = arith.constant 80 : index
        %get3A_716 = tpu.vector_load %arg9[%get3A_714, %get3A_715] {strides = array<i32>} : memref<320x128xf32, #tpu.memory_space<vmem>>, vector<16xf32>,
        %mul3A_717 = arith.mulf %get3A_622, %get3A_711 : vector<16xf32>
        %mul3A_718 = arith.mulf %get3A_630, %get3A_716 : vector<16xf32>
        %add3A_719 = arith.addf %mul3A_717, %mul3A_718 : vector<16xf32>
        %mul3A_720 = arith.constant 400 : i32
        %mul3A_721 = arith.muli %scan3A_97, %mul3A_720 : i32
        %add3A_722 = arith.constant 80 : i32
        %add3A_723 = arith.addi %mul3A_721, %add3A_722 : i32
        %add3A_724 = arith.constant 192 : i32
        %add3A_725 = arith.addi %add3A_723, %add3A_724 : i32
        %add3A_726 = arith.constant 16 : i32
        %add3A_727 = arith.addi %add3A_725, %add3A_726 : i32
        %swap3A_728 = arith.index_cast %add3A_727 : i32 to index
        %swap3A_729 = tpu.vector_load %arg13[%swap3A_728] {strides = array<i32>} : memref<12800xf32, #tpu.memory_space<vmem>>, vector<16xf32>,
        tpu.vector_store %arg13[%swap3A_728], %add3A_719 {strides = array<i32>} : memref<12800xf32, #tpu.memory_space<vmem>>, vector<16xf32>,
        %get3A_730 = arith.index_cast %mul3A_614 : i32 to index
        %get3A_731 = arith.constant 96 : index
        %get3A_732 = tpu.vector_load %arg9[%get3A_730, %get3A_731] {strides = array<i32>} : memref<320x128xf32, #tpu.memory_space<vmem>>, vector<16xf32>,
        %add3A_733 = arith.constant 1 : i32
        %add3A_734 = arith.addi %mul3A_614, %add3A_733 : i32
        %get3A_735 = arith.index_cast %add3A_734 : i32 to index
        %get3A_736 = arith.constant 96 : index
        %get3A_737 = tpu.vector_load %arg9[%get3A_735, %get3A_736] {strides = array<i32>} : memref<320x128xf32, #tpu.memory_space<vmem>>, vector<16xf32>,
        %mul3A_738 = arith.mulf %get3A_622, %get3A_732 : vector<16xf32>
        %mul3A_739 = arith.mulf %get3A_630, %get3A_737 : vector<16xf32>
        %add3A_740 = arith.addf %mul3A_738, %mul3A_739 : vector<16xf32>
        %mul3A_741 = arith.constant 400 : i32
        %mul3A_742 = arith.muli %scan3A_97, %mul3A_741 : i32
        %add3A_743 = arith.constant 80 : i32
        %add3A_744 = arith.addi %mul3A_742, %add3A_743 : i32
        %add3A_745 = arith.constant 192 : i32
        %add3A_746 = arith.addi %add3A_744, %add3A_745 : i32
        %add3A_747 = arith.constant 32 : i32
        %add3A_748 = arith.addi %add3A_746, %add3A_747 : i32
        %swap3A_749 = arith.index_cast %add3A_748 : i32 to index
        %swap3A_750 = tpu.vector_load %arg13[%swap3A_749] {strides = array<i32>} : memref<12800xf32, #tpu.memory_space<vmem>>, vector<16xf32>,
        tpu.vector_store %arg13[%swap3A_749], %add3A_740 {strides = array<i32>} : memref<12800xf32, #tpu.memory_space<vmem>>, vector<16xf32>,
        %get3A_751 = arith.index_cast %mul3A_614 : i32 to index
        %get3A_752 = arith.constant 112 : index
        %get3A_753 = tpu.vector_load %arg9[%get3A_751, %get3A_752] {strides = array<i32>} : memref<320x128xf32, #tpu.memory_space<vmem>>, vector<16xf32>,
        %add3A_754 = arith.constant 1 : i32
        %add3A_755 = arith.addi %mul3A_614, %add3A_754 : i32
        %get3A_756 = arith.index_cast %add3A_755 : i32 to index
        %get3A_757 = arith.constant 112 : index
        %get3A_758 = tpu.vector_load %arg9[%get3A_756, %get3A_757] {strides = array<i32>} : memref<320x128xf32, #tpu.memory_space<vmem>>, vector<16xf32>,
        %mul3A_759 = arith.mulf %get3A_622, %get3A_753 : vector<16xf32>
        %mul3A_760 = arith.mulf %get3A_630, %get3A_758 : vector<16xf32>
        %add3A_761 = arith.addf %mul3A_759, %mul3A_760 : vector<16xf32>
        %mul3A_762 = arith.constant 400 : i32
        %mul3A_763 = arith.muli %scan3A_97, %mul3A_762 : i32
        %add3A_764 = arith.constant 80 : i32
        %add3A_765 = arith.addi %mul3A_763, %add3A_764 : i32
        %add3A_766 = arith.constant 192 : i32
        %add3A_767 = arith.addi %add3A_765, %add3A_766 : i32
        %add3A_768 = arith.constant 48 : i32
        %add3A_769 = arith.addi %add3A_767, %add3A_768 : i32
        %swap3A_770 = arith.index_cast %add3A_769 : i32 to index
        %swap3A_771 = tpu.vector_load %arg13[%swap3A_770] {strides = array<i32>} : memref<12800xf32, #tpu.memory_space<vmem>>, vector<16xf32>,
        tpu.vector_store %arg13[%swap3A_770], %add3A_761 {strides = array<i32>} : memref<12800xf32, #tpu.memory_space<vmem>>, vector<16xf32>,
        %mul3A_772 = arith.constant 5 : i32
        %mul3A_773 = arith.muli %scan3A_97, %mul3A_772 : i32
        %add3A_774 = arith.constant 4 : i32
        %add3A_775 = arith.addi %mul3A_773, %add3A_774 : i32
        %mul3A_776 = arith.constant 2 : i32
        %mul3A_777 = arith.muli %add3A_775, %mul3A_776 : i32
        %mul3A_778 = arith.constant 5 : i32
        %mul3A_779 = arith.muli %scan3A_97, %mul3A_778 : i32
        %add3A_780 = arith.constant 4 : i32
        %add3A_781 = arith.addi %mul3A_779, %add3A_780 : i32
        %mul3A_782 = arith.constant 16 : i32
        %mul3A_783 = arith.muli %add3A_781, %mul3A_782 : i32
        %get3A_784 = arith.index_cast %mul3A_783 : i32 to index
        %get3A_785 = tpu.vector_load %arg11[%get3A_784] {strides = array<i32>} : memref<2560xf32, #tpu.memory_space<vmem>>, vector<16xf32>,
        %mul3A_786 = arith.constant 5 : i32
        %mul3A_787 = arith.muli %scan3A_97, %mul3A_786 : i32
        %add3A_788 = arith.constant 4 : i32
        %add3A_789 = arith.addi %mul3A_787, %add3A_788 : i32
        %mul3A_790 = arith.constant 16 : i32
        %mul3A_791 = arith.muli %add3A_789, %mul3A_790 : i32
        %get3A_792 = arith.index_cast %mul3A_791 : i32 to index
        %get3A_793 = tpu.vector_load %arg12[%get3A_792] {strides = array<i32>} : memref<2560xf32, #tpu.memory_space<vmem>>, vector<16xf32>,
        %get3A_794 = arith.index_cast %mul3A_777 : i32 to index
        %get3A_795 = arith.constant 0 : index
        %get3A_796 = tpu.vector_load %arg9[%get3A_794, %get3A_795] {strides = array<i32>} : memref<320x128xf32, #tpu.memory_space<vmem>>, vector<16xf32>,
        %add3A_797 = arith.constant 1 : i32
        %add3A_798 = arith.addi %mul3A_777, %add3A_797 : i32
        %get3A_799 = arith.index_cast %add3A_798 : i32 to index
        %get3A_800 = arith.constant 0 : index
        %get3A_801 = tpu.vector_load %arg9[%get3A_799, %get3A_800] {strides = array<i32>} : memref<320x128xf32, #tpu.memory_space<vmem>>, vector<16xf32>,
        %mul3A_802 = arith.mulf %get3A_785, %get3A_796 : vector<16xf32>
        %mul3A_803 = arith.mulf %get3A_793, %get3A_801 : vector<16xf32>
        %add3A_804 = arith.addf %mul3A_802, %mul3A_803 : vector<16xf32>
        %mul3A_805 = arith.mulf %get3A_102, %add3A_804 : vector<16xf32>
        %get3A_806 = arith.index_cast %mul3A_777 : i32 to index
        %get3A_807 = arith.constant 16 : index
        %get3A_808 = tpu.vector_load %arg9[%get3A_806, %get3A_807] {strides = array<i32>} : memref<320x128xf32, #tpu.memory_space<vmem>>, vector<16xf32>,
        %add3A_809 = arith.constant 1 : i32
        %add3A_810 = arith.addi %mul3A_777, %add3A_809 : i32
        %get3A_811 = arith.index_cast %add3A_810 : i32 to index
        %get3A_812 = arith.constant 16 : index
        %get3A_813 = tpu.vector_load %arg9[%get3A_811, %get3A_812] {strides = array<i32>} : memref<320x128xf32, #tpu.memory_space<vmem>>, vector<16xf32>,
        %mul3A_814 = arith.mulf %get3A_785, %get3A_808 : vector<16xf32>
        %mul3A_815 = arith.mulf %get3A_793, %get3A_813 : vector<16xf32>
        %add3A_816 = arith.addf %mul3A_814, %mul3A_815 : vector<16xf32>
        %mul3A_817 = arith.mulf %get3A_108, %add3A_816 : vector<16xf32>
        %get3A_818 = arith.index_cast %mul3A_777 : i32 to index
        %get3A_819 = arith.constant 32 : index
        %get3A_820 = tpu.vector_load %arg9[%get3A_818, %get3A_819] {strides = array<i32>} : memref<320x128xf32, #tpu.memory_space<vmem>>, vector<16xf32>,
        %add3A_821 = arith.constant 1 : i32
        %add3A_822 = arith.addi %mul3A_777, %add3A_821 : i32
        %get3A_823 = arith.index_cast %add3A_822 : i32 to index
        %get3A_824 = arith.constant 32 : index
        %get3A_825 = tpu.vector_load %arg9[%get3A_823, %get3A_824] {strides = array<i32>} : memref<320x128xf32, #tpu.memory_space<vmem>>, vector<16xf32>,
        %mul3A_826 = arith.mulf %get3A_785, %get3A_820 : vector<16xf32>
        %mul3A_827 = arith.mulf %get3A_793, %get3A_825 : vector<16xf32>
        %add3A_828 = arith.addf %mul3A_826, %mul3A_827 : vector<16xf32>
        %mul3A_829 = arith.mulf %get3A_114, %add3A_828 : vector<16xf32>
        %get3A_830 = arith.index_cast %mul3A_777 : i32 to index
        %get3A_831 = arith.constant 48 : index
        %get3A_832 = tpu.vector_load %arg9[%get3A_830, %get3A_831] {strides = array<i32>} : memref<320x128xf32, #tpu.memory_space<vmem>>, vector<16xf32>,
        %add3A_833 = arith.constant 1 : i32
        %add3A_834 = arith.addi %mul3A_777, %add3A_833 : i32
        %get3A_835 = arith.index_cast %add3A_834 : i32 to index
        %get3A_836 = arith.constant 48 : index
        %get3A_837 = tpu.vector_load %arg9[%get3A_835, %get3A_836] {strides = array<i32>} : memref<320x128xf32, #tpu.memory_space<vmem>>, vector<16xf32>,
        %mul3A_838 = arith.mulf %get3A_785, %get3A_832 : vector<16xf32>
        %mul3A_839 = arith.mulf %get3A_793, %get3A_837 : vector<16xf32>
        %add3A_840 = arith.addf %mul3A_838, %mul3A_839 : vector<16xf32>
        %mul3A_841 = arith.mulf %get3A_120, %add3A_840 : vector<16xf32>
        %add3A_842 = arith.addf %mul3A_805, %mul3A_817 : vector<16xf32>
        %add3A_843 = arith.addf %mul3A_829, %mul3A_841 : vector<16xf32>
        %add3A_844 = arith.addf %add3A_842, %add3A_843 : vector<16xf32>
        %mul3A_845 = arith.constant 400 : i32
        %mul3A_846 = arith.muli %scan3A_97, %mul3A_845 : i32
        %add3A_847 = arith.constant 64 : i32
        %add3A_848 = arith.addi %mul3A_846, %add3A_847 : i32
        %swap3A_849 = arith.index_cast %add3A_848 : i32 to index
        %swap3A_850 = tpu.vector_load %arg13[%swap3A_849] {strides = array<i32>} : memref<12800xf32, #tpu.memory_space<vmem>>, vector<16xf32>,
        tpu.vector_store %arg13[%swap3A_849], %add3A_844 {strides = array<i32>} : memref<12800xf32, #tpu.memory_space<vmem>>, vector<16xf32>,
        %get3A_851 = arith.index_cast %mul3A_777 : i32 to index
        %get3A_852 = arith.constant 64 : index
        %get3A_853 = tpu.vector_load %arg9[%get3A_851, %get3A_852] {strides = array<i32>} : memref<320x128xf32, #tpu.memory_space<vmem>>, vector<16xf32>,
        %add3A_854 = arith.constant 1 : i32
        %add3A_855 = arith.addi %mul3A_777, %add3A_854 : i32
        %get3A_856 = arith.index_cast %add3A_855 : i32 to index
        %get3A_857 = arith.constant 64 : index
        %get3A_858 = tpu.vector_load %arg9[%get3A_856, %get3A_857] {strides = array<i32>} : memref<320x128xf32, #tpu.memory_space<vmem>>, vector<16xf32>,
        %mul3A_859 = arith.mulf %get3A_785, %get3A_853 : vector<16xf32>
        %mul3A_860 = arith.mulf %get3A_793, %get3A_858 : vector<16xf32>
        %add3A_861 = arith.addf %mul3A_859, %mul3A_860 : vector<16xf32>
        %mul3A_862 = arith.constant 400 : i32
        %mul3A_863 = arith.muli %scan3A_97, %mul3A_862 : i32
        %add3A_864 = arith.constant 80 : i32
        %add3A_865 = arith.addi %mul3A_863, %add3A_864 : i32
        %add3A_866 = arith.constant 256 : i32
        %add3A_867 = arith.addi %add3A_865, %add3A_866 : i32
        %add3A_868 = arith.constant 0 : i32
        %add3A_869 = arith.addi %add3A_867, %add3A_868 : i32
        %swap3A_870 = arith.index_cast %add3A_869 : i32 to index
        %swap3A_871 = tpu.vector_load %arg13[%swap3A_870] {strides = array<i32>} : memref<12800xf32, #tpu.memory_space<vmem>>, vector<16xf32>,
        tpu.vector_store %arg13[%swap3A_870], %add3A_861 {strides = array<i32>} : memref<12800xf32, #tpu.memory_space<vmem>>, vector<16xf32>,
        %get3A_872 = arith.index_cast %mul3A_777 : i32 to index
        %get3A_873 = arith.constant 80 : index
        %get3A_874 = tpu.vector_load %arg9[%get3A_872, %get3A_873] {strides = array<i32>} : memref<320x128xf32, #tpu.memory_space<vmem>>, vector<16xf32>,
        %add3A_875 = arith.constant 1 : i32
        %add3A_876 = arith.addi %mul3A_777, %add3A_875 : i32
        %get3A_877 = arith.index_cast %add3A_876 : i32 to index
        %get3A_878 = arith.constant 80 : index
        %get3A_879 = tpu.vector_load %arg9[%get3A_877, %get3A_878] {strides = array<i32>} : memref<320x128xf32, #tpu.memory_space<vmem>>, vector<16xf32>,
        %mul3A_880 = arith.mulf %get3A_785, %get3A_874 : vector<16xf32>
        %mul3A_881 = arith.mulf %get3A_793, %get3A_879 : vector<16xf32>
        %add3A_882 = arith.addf %mul3A_880, %mul3A_881 : vector<16xf32>
        %mul3A_883 = arith.constant 400 : i32
        %mul3A_884 = arith.muli %scan3A_97, %mul3A_883 : i32
        %add3A_885 = arith.constant 80 : i32
        %add3A_886 = arith.addi %mul3A_884, %add3A_885 : i32
        %add3A_887 = arith.constant 256 : i32
        %add3A_888 = arith.addi %add3A_886, %add3A_887 : i32
        %add3A_889 = arith.constant 16 : i32
        %add3A_890 = arith.addi %add3A_888, %add3A_889 : i32
        %swap3A_891 = arith.index_cast %add3A_890 : i32 to index
        %swap3A_892 = tpu.vector_load %arg13[%swap3A_891] {strides = array<i32>} : memref<12800xf32, #tpu.memory_space<vmem>>, vector<16xf32>,
        tpu.vector_store %arg13[%swap3A_891], %add3A_882 {strides = array<i32>} : memref<12800xf32, #tpu.memory_space<vmem>>, vector<16xf32>,
        %get3A_893 = arith.index_cast %mul3A_777 : i32 to index
        %get3A_894 = arith.constant 96 : index
        %get3A_895 = tpu.vector_load %arg9[%get3A_893, %get3A_894] {strides = array<i32>} : memref<320x128xf32, #tpu.memory_space<vmem>>, vector<16xf32>,
        %add3A_896 = arith.constant 1 : i32
        %add3A_897 = arith.addi %mul3A_777, %add3A_896 : i32
        %get3A_898 = arith.index_cast %add3A_897 : i32 to index
        %get3A_899 = arith.constant 96 : index
        %get3A_900 = tpu.vector_load %arg9[%get3A_898, %get3A_899] {strides = array<i32>} : memref<320x128xf32, #tpu.memory_space<vmem>>, vector<16xf32>,
        %mul3A_901 = arith.mulf %get3A_785, %get3A_895 : vector<16xf32>
        %mul3A_902 = arith.mulf %get3A_793, %get3A_900 : vector<16xf32>
        %add3A_903 = arith.addf %mul3A_901, %mul3A_902 : vector<16xf32>
        %mul3A_904 = arith.constant 400 : i32
        %mul3A_905 = arith.muli %scan3A_97, %mul3A_904 : i32
        %add3A_906 = arith.constant 80 : i32
        %add3A_907 = arith.addi %mul3A_905, %add3A_906 : i32
        %add3A_908 = arith.constant 256 : i32
        %add3A_909 = arith.addi %add3A_907, %add3A_908 : i32
        %add3A_910 = arith.constant 32 : i32
        %add3A_911 = arith.addi %add3A_909, %add3A_910 : i32
        %swap3A_912 = arith.index_cast %add3A_911 : i32 to index
        %swap3A_913 = tpu.vector_load %arg13[%swap3A_912] {strides = array<i32>} : memref<12800xf32, #tpu.memory_space<vmem>>, vector<16xf32>,
        tpu.vector_store %arg13[%swap3A_912], %add3A_903 {strides = array<i32>} : memref<12800xf32, #tpu.memory_space<vmem>>, vector<16xf32>,
        %get3A_914 = arith.index_cast %mul3A_777 : i32 to index
        %get3A_915 = arith.constant 112 : index
        %get3A_916 = tpu.vector_load %arg9[%get3A_914, %get3A_915] {strides = array<i32>} : memref<320x128xf32, #tpu.memory_space<vmem>>, vector<16xf32>,
        %add3A_917 = arith.constant 1 : i32
        %add3A_918 = arith.addi %mul3A_777, %add3A_917 : i32
        %get3A_919 = arith.index_cast %add3A_918 : i32 to index
        %get3A_920 = arith.constant 112 : index
        %get3A_921 = tpu.vector_load %arg9[%get3A_919, %get3A_920] {strides = array<i32>} : memref<320x128xf32, #tpu.memory_space<vmem>>, vector<16xf32>,
        %mul3A_922 = arith.mulf %get3A_785, %get3A_916 : vector<16xf32>
        %mul3A_923 = arith.mulf %get3A_793, %get3A_921 : vector<16xf32>
        %add3A_924 = arith.addf %mul3A_922, %mul3A_923 : vector<16xf32>
        %mul3A_925 = arith.constant 400 : i32
        %mul3A_926 = arith.muli %scan3A_97, %mul3A_925 : i32
        %add3A_927 = arith.constant 80 : i32
        %add3A_928 = arith.addi %mul3A_926, %add3A_927 : i32
        %add3A_929 = arith.constant 256 : i32
        %add3A_930 = arith.addi %add3A_928, %add3A_929 : i32
        %add3A_931 = arith.constant 48 : i32
        %add3A_932 = arith.addi %add3A_930, %add3A_931 : i32
        %swap3A_933 = arith.index_cast %add3A_932 : i32 to index
        %swap3A_934 = tpu.vector_load %arg13[%swap3A_933] {strides = array<i32>} : memref<12800xf32, #tpu.memory_space<vmem>>, vector<16xf32>,
        tpu.vector_store %arg13[%swap3A_933], %add3A_924 {strides = array<i32>} : memref<12800xf32, #tpu.memory_space<vmem>>, vector<16xf32>,
      }
      %scan3A_94 = arith.constant 32 : i32
      %mul3A_95 = arith.constant 400 : i32
      %mul3A_96 = arith.muli %add3A_16, %mul3A_95 : i32
      "tpu.region"() ({
        %run_scoped3A = tpu.sem_alloc : memref<!tpu.dma_semaphore, #tpu.memory_space<semaphore_mem>>
        %dma_start3A_97 = tpu.memref_slice %arg7[%mul3A_96] : memref<26214400xf32, #tpu.memory_space<hbm>> -> memref<12800xf32, #tpu.memory_space<hbm>>
        %dma_start3A_98 = tpu.memref_slice %arg7[%mul3A_96] : memref<26214400xf32, #tpu.memory_space<hbm>> -> memref<12800xf32, #tpu.memory_space<hbm>>
        tpu.enqueue_dma source(%arg13 : memref<12800xf32, #tpu.memory_space<vmem>>) target(%dma_start3A_98 : memref<12800xf32, #tpu.memory_space<hbm>>) target_semaphore(%run_scoped3A : memref<!tpu.dma_semaphore, #tpu.memory_space<semaphore_mem>>)
        %dma_wait3A_99 = tpu.memref_slice %arg7[%mul3A_96] : memref<26214400xf32, #tpu.memory_space<hbm>> -> memref<12800xf32, #tpu.memory_space<hbm>>
        %dma_wait3A_100 = tpu.memref_slice %arg7[%mul3A_96] : memref<26214400xf32, #tpu.memory_space<hbm>> -> memref<12800xf32, #tpu.memory_space<hbm>>
        tpu.wait_dma2 semaphore(%run_scoped3A : memref<!tpu.dma_semaphore, #tpu.memory_space<semaphore_mem>>) src(%arg13 : memref<12800xf32, #tpu.memory_space<vmem>>) dst(%dma_wait3A_100 : memref<12800xf32, #tpu.memory_space<hbm>>)
        tpu.yield
      }) : () -> ()
    }
    %scan3A_5 = arith.constant 64 : i32
    return
  }
}

module attributes {stable_mosaic.version = 14 : i64} {
  func.func @_stage_a_body(%arg0: i32, %arg1: memref<512x1024xf32, #tpu.memory_space<vmem>>, %arg2: memref<512x1024xf32, #tpu.memory_space<vmem>>, %arg3: memref<4120x1024xf32, #tpu.memory_space<vmem>>, %arg4: memref<2x1x2048xi32, #tpu.memory_space<vmem>>, %arg5: memref<1024x1024xf32, #tpu.memory_space<vmem>>, %arg6: memref<1x1024xf32, #tpu.memory_space<vmem>>, %arg7: memref<1024x1024xf32, #tpu.memory_space<vmem>>, %arg8: memref<1x1024xf32, #tpu.memory_space<vmem>>, %arg9: memref<1024x1024xf32, #tpu.memory_space<vmem>>, %arg10: memref<1x1024xf32, #tpu.memory_space<vmem>>, %arg11: memref<1024x80xf32, #tpu.memory_space<vmem>>, %arg12: memref<1x80xf32, #tpu.memory_space<vmem>>, %arg13: memref<512x1024xf32, #tpu.memory_space<vmem>>, %arg14: memref<512x1024xf32, #tpu.memory_space<vmem>>, %arg15: memref<512x1024xf32, #tpu.memory_space<vmem>>, %arg16: memref<512x80xi32, #tpu.memory_space<vmem>>, %arg17: memref<512x80xi32, #tpu.memory_space<vmem>>, %arg18: memref<512x1280xf32, #tpu.memory_space<vmem>>, %arg19: memref<512x1280xf32, #tpu.memory_space<vmem>>) attributes {dimension_semantics = [#tpu.dimension_semantics<arbitrary>], iteration_bounds = array<i64: 8>, scalar_prefetch = 0 : i64, scratch_operands = 0 : i64, tpu.core_type = #tpu.core_type<tc>, window_params = [{transform_indices = @transform_0, window_bounds = array<i64: 512, 1024>}, {transform_indices = @transform_1, window_bounds = array<i64: 512, 1024>}, {pipeline_mode = #tpu.pipeline_mode<synchronous>, transform_indices = @transform_2, window_bounds = array<i64: 4120, 1024>}, {pipeline_mode = #tpu.pipeline_mode<synchronous>, transform_indices = @transform_3, window_bounds = array<i64: 2, 1, 2048>}, {pipeline_mode = #tpu.pipeline_mode<synchronous>, transform_indices = @transform_4, window_bounds = array<i64: 1024, 1024>}, {pipeline_mode = #tpu.pipeline_mode<synchronous>, transform_indices = @transform_5, window_bounds = array<i64: 1, 1024>}, {pipeline_mode = #tpu.pipeline_mode<synchronous>, transform_indices = @transform_6, window_bounds = array<i64: 1024, 1024>}, {pipeline_mode = #tpu.pipeline_mode<synchronous>, transform_indices = @transform_7, window_bounds = array<i64: 1, 1024>}, {pipeline_mode = #tpu.pipeline_mode<synchronous>, transform_indices = @transform_8, window_bounds = array<i64: 1024, 1024>}, {pipeline_mode = #tpu.pipeline_mode<synchronous>, transform_indices = @transform_9, window_bounds = array<i64: 1, 1024>}, {pipeline_mode = #tpu.pipeline_mode<synchronous>, transform_indices = @transform_10, window_bounds = array<i64: 1024, 80>}, {pipeline_mode = #tpu.pipeline_mode<synchronous>, transform_indices = @transform_11, window_bounds = array<i64: 1, 80>}, {transform_indices = @transform_12, window_bounds = array<i64: 512, 1024>}, {transform_indices = @transform_13, window_bounds = array<i64: 512, 1024>}, {transform_indices = @transform_14, window_bounds = array<i64: 512, 1024>}, {transform_indices = @transform_15, window_bounds = array<i64: 512, 80>}, {transform_indices = @transform_16, window_bounds = array<i64: 512, 80>}, {transform_indices = @transform_17, window_bounds = array<i64: 512, 1280>}, {transform_indices = @transform_18, window_bounds = array<i64: 512, 1280>}]} {
    %get3A = arith.constant 0 : index
    %get3A_0 = arith.constant 0 : index
    %get3A_1 = vector.load %arg1[%get3A, %get3A_0] : memref<512x1024xf32, #tpu.memory_space<vmem>>, vector<512x1024xf32>
    %get3A_2 = arith.constant 0 : index
    %get3A_3 = arith.constant 0 : index
    %get3A_4 = vector.load %arg5[%get3A_2, %get3A_3] : memref<1024x1024xf32, #tpu.memory_space<vmem>>, vector<1024x1024xf32>
    %dot_general3A = arith.constant dense<0.000000e+00> : vector<512x1024xf32>
    %dot_general3A_5 = tpu.matmul %get3A_1, %get3A_4, %dot_general3A {dimension_numbers = #tpu.dot_dimension_numbers<[1], [0], [0], [1], [0, 0, 1, 1], [], []>, transpose_lhs_hint = false} : vector<512x1024xf32>, vector<1024x1024xf32>, vector<512x1024xf32> -> vector<512x1024xf32>
    %get3A_6 = arith.constant 0 : index
    %get3A_7 = arith.constant 0 : index
    %get3A_8 = vector.load %arg6[%get3A_6, %get3A_7] : memref<1x1024xf32, #tpu.memory_space<vmem>>, vector<1x1024xf32>
    %add3A = vector.broadcast %get3A_8 : vector<1x1024xf32> to vector<512x1024xf32>
    %add3A_9 = arith.addf %dot_general3A_5, %add3A : vector<512x1024xf32>
    %swap3A = arith.constant 0 : index
    %swap3A_10 = arith.constant 0 : index
    %swap3A_11 = vector.load %arg13[%swap3A, %swap3A_10] : memref<512x1024xf32, #tpu.memory_space<vmem>>, vector<512x1024xf32>
    tpu.vector_store %arg13[%swap3A, %swap3A_10], %add3A_9 {strides = array<i32>} : memref<512x1024xf32, #tpu.memory_space<vmem>>, vector<512x1024xf32>,
    %get3A_12 = arith.constant 0 : index
    %get3A_13 = arith.constant 0 : index
    %get3A_14 = vector.load %arg2[%get3A_12, %get3A_13] : memref<512x1024xf32, #tpu.memory_space<vmem>>, vector<512x1024xf32>
    %get3A_15 = arith.constant 0 : index
    %get3A_16 = arith.constant 0 : index
    %get3A_17 = vector.load %arg7[%get3A_15, %get3A_16] : memref<1024x1024xf32, #tpu.memory_space<vmem>>, vector<1024x1024xf32>
    %dot_general3A_18 = arith.constant dense<0.000000e+00> : vector<512x1024xf32>
    %dot_general3A_19 = tpu.matmul %get3A_14, %get3A_17, %dot_general3A_18 {dimension_numbers = #tpu.dot_dimension_numbers<[1], [0], [0], [1], [0, 0, 1, 1], [], []>, transpose_lhs_hint = false} : vector<512x1024xf32>, vector<1024x1024xf32>, vector<512x1024xf32> -> vector<512x1024xf32>
    %get3A_20 = arith.constant 0 : index
    %get3A_21 = arith.constant 0 : index
    %get3A_22 = vector.load %arg8[%get3A_20, %get3A_21] : memref<1x1024xf32, #tpu.memory_space<vmem>>, vector<1x1024xf32>
    %add3A_23 = vector.broadcast %get3A_22 : vector<1x1024xf32> to vector<512x1024xf32>
    %add3A_24 = arith.addf %dot_general3A_19, %add3A_23 : vector<512x1024xf32>
    %swap3A_25 = arith.constant 0 : index
    %swap3A_26 = arith.constant 0 : index
    %swap3A_27 = vector.load %arg14[%swap3A_25, %swap3A_26] : memref<512x1024xf32, #tpu.memory_space<vmem>>, vector<512x1024xf32>
    tpu.vector_store %arg14[%swap3A_25, %swap3A_26], %add3A_24 {strides = array<i32>} : memref<512x1024xf32, #tpu.memory_space<vmem>>, vector<512x1024xf32>,
    %jit3A = arith.constant 4 : i32
    %div3A = arith.divsi %arg0, %jit3A : i32
    %sign3A = arith.constant 0 : i32
    %sign3A_28 = arith.cmpi sgt, %arg0, %sign3A : i32
    %sign3A_29 = arith.extui %sign3A_28 : i1 to i32
    %sign3A_30 = arith.constant 0 : i32
    %sign3A_31 = arith.cmpi slt, %arg0, %sign3A_30 : i32
    %sign3A_32 = arith.extui %sign3A_31 : i1 to i32
    %sign3A_33 = arith.subi %sign3A_29, %sign3A_32 : i32
    %sign3A_34 = arith.constant 0 : i32
    %sign3A_35 = arith.cmpi sgt, %jit3A, %sign3A_34 : i32
    %sign3A_36 = arith.extui %sign3A_35 : i1 to i32
    %sign3A_37 = arith.constant 0 : i32
    %sign3A_38 = arith.cmpi slt, %jit3A, %sign3A_37 : i32
    %sign3A_39 = arith.extui %sign3A_38 : i1 to i32
    %sign3A_40 = arith.subi %sign3A_36, %sign3A_39 : i32
    %ne3A = arith.cmpi ne, %sign3A_33, %sign3A_40 : i32
    %rem3A = arith.remsi %arg0, %jit3A : i32
    %ne3A_41 = arith.constant 0 : i32
    %ne3A_42 = arith.cmpi ne, %rem3A, %ne3A_41 : i32
    %and3A = arith.andi %ne3A, %ne3A_42 : i1
    %sub3A = arith.constant 1 : i32
    %sub3A_43 = arith.subi %div3A, %sub3A : i32
    %select_n3A = arith.select %and3A, %sub3A_43, %div3A : i32
    %mul3A = arith.constant 4 : i32
    %mul3A_44 = arith.muli %select_n3A, %mul3A : i32
    %sub3A_45 = arith.subi %arg0, %mul3A_44 : i32
    %mul3A_46 = arith.constant 512 : i32
    %mul3A_47 = arith.muli %sub3A_45, %mul3A_46 : i32
    %mul3A_48 = arith.constant 2056 : i32
    %mul3A_49 = arith.muli %select_n3A, %mul3A_48 : i32
    %add3A_50 = arith.constant 8 : i32
    %add3A_51 = arith.addi %add3A_50, %mul3A_49 : i32
    %add3A_52 = arith.addi %add3A_51, %mul3A_47 : i32
    %multiple_of3A = tpu.assume_multiple %add3A_52, 8 : i32
    %get3A_53 = arith.index_cast %multiple_of3A : i32 to index
    %get3A_54 = arith.constant 0 : index
    %get3A_55 = vector.load %arg3[%get3A_53, %get3A_54] : memref<4120x1024xf32, #tpu.memory_space<vmem>>, vector<520x1024xf32>
    %iota3A = tpu.iota {dimensions = array<i32: 0>} : vector<512x520xi32>
    %iota3A_56 = tpu.iota {dimensions = array<i32: 1>} : vector<512x520xi32>
    %sub3A_57 = arith.subi %iota3A_56, %iota3A : vector<512x520xi32>
    %ge3A = arith.constant 0 : i32
    %ge3A_58 = vector.broadcast %ge3A : i32 to vector<512x520xi32>
    %ge3A_59 = arith.cmpi sge, %sub3A_57, %ge3A_58 : vector<512x520xi32>
    %lt3A = arith.constant 5 : i32
    %lt3A_60 = vector.broadcast %lt3A : i32 to vector<512x520xi32>
    %lt3A_61 = arith.cmpi slt, %sub3A_57, %lt3A_60 : vector<512x520xi32>
    %and3A_62 = arith.andi %ge3A_59, %lt3A_61 : vector<512x520xi1>
    %jit3A_63 = arith.constant 2.000000e-01 : f32
    %jit3A_64 = arith.constant 0.000000e+00 : f32
    %broadcast_in_dim3A = vector.broadcast %jit3A_63 : f32 to vector<512x520xf32>
    %broadcast_in_dim3A_65 = vector.broadcast %jit3A_64 : f32 to vector<512x520xf32>
    %select_n3A_66 = arith.select %and3A_62, %broadcast_in_dim3A, %broadcast_in_dim3A_65 : vector<512x520xi1>, vector<512x520xf32>
    %dot_general3A_67 = arith.constant dense<0.000000e+00> : vector<512x1024xf32>
    %dot_general3A_68 = tpu.matmul %select_n3A_66, %get3A_55, %dot_general3A_67 {dimension_numbers = #tpu.dot_dimension_numbers<[1], [0], [0], [1], [0, 0, 1, 1], [], []>, transpose_lhs_hint = false} : vector<512x520xf32>, vector<520x1024xf32>, vector<512x1024xf32> -> vector<512x1024xf32>
    %get3A_69 = arith.constant 0 : index
    %get3A_70 = arith.constant 0 : index
    %get3A_71 = vector.load %arg9[%get3A_69, %get3A_70] : memref<1024x1024xf32, #tpu.memory_space<vmem>>, vector<1024x1024xf32>
    %dot_general3A_72 = arith.constant dense<0.000000e+00> : vector<512x1024xf32>
    %dot_general3A_73 = tpu.matmul %dot_general3A_68, %get3A_71, %dot_general3A_72 {dimension_numbers = #tpu.dot_dimension_numbers<[1], [0], [0], [1], [0, 0, 1, 1], [], []>, transpose_lhs_hint = false} : vector<512x1024xf32>, vector<1024x1024xf32>, vector<512x1024xf32> -> vector<512x1024xf32>
    %iota3A_74 = tpu.iota {dimensions = array<i32: 0>} : vector<512x1xi32>
    %add3A_75 = vector.broadcast %mul3A_47 : i32 to vector<512x1xi32>
    %add3A_76 = arith.addi %add3A_75, %iota3A_74 : vector<512x1xi32>
    %sub3A_77 = arith.constant 2 : i32
    %sub3A_78 = vector.broadcast %sub3A_77 : i32 to vector<512x1xi32>
    %sub3A_79 = arith.subi %sub3A_78, %add3A_76 : vector<512x1xi32>
    %max3A = arith.constant 0 : i32
    %max3A_80 = vector.broadcast %max3A : i32 to vector<512x1xi32>
    %max3A_81 = arith.maxsi %sub3A_79, %max3A_80 : vector<512x1xi32>
    %sub3A_82 = arith.constant 5 : i32
    %sub3A_83 = vector.broadcast %sub3A_82 : i32 to vector<512x1xi32>
    %sub3A_84 = arith.subi %sub3A_83, %max3A_81 : vector<512x1xi32>
    %sub3A_85 = arith.constant 2045 : i32
    %sub3A_86 = vector.broadcast %sub3A_85 : i32 to vector<512x1xi32>
    %sub3A_87 = arith.subi %add3A_76, %sub3A_86 : vector<512x1xi32>
    %max3A_88 = arith.constant 0 : i32
    %max3A_89 = vector.broadcast %max3A_88 : i32 to vector<512x1xi32>
    %max3A_90 = arith.maxsi %sub3A_87, %max3A_89 : vector<512x1xi32>
    %sub3A_91 = arith.subi %sub3A_84, %max3A_90 : vector<512x1xi32>
    %get3A_92 = arith.constant 0 : index
    %get3A_93 = arith.constant 0 : index
    %get3A_94 = vector.load %arg10[%get3A_92, %get3A_93] : memref<1x1024xf32, #tpu.memory_space<vmem>>, vector<1x1024xf32>
    %convert_element_type3A = arith.sitofp %sub3A_91 : vector<512x1xi32> to vector<512x1xf32>
    %mul3A_95 = arith.constant 2.000000e-01 : f32
    %mul3A_96 = vector.broadcast %mul3A_95 : f32 to vector<512x1xf32>
    %mul3A_97 = arith.mulf %convert_element_type3A, %mul3A_96 : vector<512x1xf32>
    %mul3A_98 = vector.broadcast %get3A_94 : vector<1x1024xf32> to vector<512x1024xf32>
    %mul3A_99 = vector.broadcast %mul3A_97 : vector<512x1xf32> to vector<512x1024xf32>
    %mul3A_100 = arith.mulf %mul3A_98, %mul3A_99 : vector<512x1024xf32>
    %add3A_101 = arith.addf %dot_general3A_73, %mul3A_100 : vector<512x1024xf32>
    %mul3A_102 = arith.constant 1.250000e-01 : f32
    %mul3A_103 = vector.broadcast %mul3A_102 : f32 to vector<512x1024xf32>
    %mul3A_104 = arith.mulf %add3A_101, %mul3A_103 : vector<512x1024xf32>
    %swap3A_105 = arith.constant 0 : index
    %swap3A_106 = arith.constant 0 : index
    %swap3A_107 = vector.load %arg15[%swap3A_105, %swap3A_106] : memref<512x1024xf32, #tpu.memory_space<vmem>>, vector<512x1024xf32>
    tpu.vector_store %arg15[%swap3A_105, %swap3A_106], %mul3A_104 {strides = array<i32>} : memref<512x1024xf32, #tpu.memory_space<vmem>>, vector<512x1024xf32>,
    %get3A_108 = arith.constant 0 : index
    %get3A_109 = arith.constant 0 : index
    %get3A_110 = vector.load %arg11[%get3A_108, %get3A_109] : memref<1024x80xf32, #tpu.memory_space<vmem>>, vector<1024x80xf32>
    %dot_general3A_111 = arith.constant dense<0.000000e+00> : vector<512x80xf32>
    %dot_general3A_112 = tpu.matmul %add3A_101, %get3A_110, %dot_general3A_111 {dimension_numbers = #tpu.dot_dimension_numbers<[1], [0], [0], [1], [0, 0, 1, 1], [], []>, transpose_lhs_hint = false} : vector<512x1024xf32>, vector<1024x80xf32>, vector<512x80xf32> -> vector<512x80xf32>
    %get3A_113 = arith.constant 0 : index
    %get3A_114 = arith.constant 0 : index
    %get3A_115 = vector.load %arg12[%get3A_113, %get3A_114] : memref<1x80xf32, #tpu.memory_space<vmem>>, vector<1x80xf32>
    %add3A_116 = vector.broadcast %get3A_115 : vector<1x80xf32> to vector<512x80xf32>
    %add3A_117 = arith.addf %dot_general3A_112, %add3A_116 : vector<512x80xf32>
    %get3A_118 = arith.constant 0 : index
    %get3A_119 = arith.constant 0 : index
    %get3A_120 = arith.constant 0 : index
    %get3A_121 = vector.load %arg4[%get3A_118, %get3A_119, %get3A_120] : memref<2x1x2048xi32, #tpu.memory_space<vmem>>, vector<2x1x2048xi32>
    %convert_element_type3A_122 = arith.sitofp %get3A_121 : vector<2x1x2048xi32> to vector<2x1x2048xf32>
    %reduce_sum3A = arith.constant dense<0.000000e+00> : vector<2x1xf32>
    %reduce_sum3A_123 = vector.multi_reduction <add>, %convert_element_type3A_122, %reduce_sum3A [2] : vector<2x1x2048xf32> to vector<2x1xf32>
    %eq3A = arith.constant 0 : i32
    %eq3A_124 = arith.cmpi eq, %select_n3A, %eq3A : i32
    %slice3A = vector.extract_strided_slice %reduce_sum3A_123 {offsets = [0, 0], sizes = [1, 1], strides = [1, 1]} : vector<2x1xf32> to vector<1x1xf32>
    %squeeze3A = vector.extract %slice3A[0, 0] : f32 from vector<1x1xf32>
    %slice3A_125 = vector.extract_strided_slice %reduce_sum3A_123 {offsets = [1, 0], sizes = [1, 1], strides = [1, 1]} : vector<2x1xf32> to vector<1x1xf32>
    %squeeze3A_126 = vector.extract %slice3A_125[0, 0] : f32 from vector<1x1xf32>
    %select_n3A_127 = arith.select %eq3A_124, %squeeze3A, %squeeze3A_126 : f32
    %sub3A_128 = arith.constant 1.000000e+00 : f32
    %sub3A_129 = arith.subf %select_n3A_127, %sub3A_128 : f32
    %iota3A_130 = tpu.iota {dimensions = array<i32: 1>} : vector<512x80xi32>
    %jit3A_131 = arith.constant 5 : i32
    %div3A_132 = vector.broadcast %jit3A_131 : i32 to vector<512x80xi32>
    %div3A_133 = arith.divsi %iota3A_130, %div3A_132 : vector<512x80xi32>
    %sign3A_134 = arith.constant 0 : i32
    %sign3A_135 = vector.broadcast %sign3A_134 : i32 to vector<512x80xi32>
    %sign3A_136 = arith.cmpi sgt, %iota3A_130, %sign3A_135 : vector<512x80xi32>
    %sign3A_137 = arith.extui %sign3A_136 : vector<512x80xi1> to vector<512x80xi32>
    %sign3A_138 = arith.constant 0 : i32
    %sign3A_139 = vector.broadcast %sign3A_138 : i32 to vector<512x80xi32>
    %sign3A_140 = arith.cmpi slt, %iota3A_130, %sign3A_139 : vector<512x80xi32>
    %sign3A_141 = arith.extui %sign3A_140 : vector<512x80xi1> to vector<512x80xi32>
    %sign3A_142 = arith.subi %sign3A_137, %sign3A_141 : vector<512x80xi32>
    %sign3A_143 = arith.constant 0 : i32
    %sign3A_144 = arith.cmpi sgt, %jit3A_131, %sign3A_143 : i32
    %sign3A_145 = arith.extui %sign3A_144 : i1 to i32
    %sign3A_146 = arith.constant 0 : i32
    %sign3A_147 = arith.cmpi slt, %jit3A_131, %sign3A_146 : i32
    %sign3A_148 = arith.extui %sign3A_147 : i1 to i32
    %sign3A_149 = arith.subi %sign3A_145, %sign3A_148 : i32
    %ne3A_150 = vector.broadcast %sign3A_149 : i32 to vector<512x80xi32>
    %ne3A_151 = arith.cmpi ne, %sign3A_142, %ne3A_150 : vector<512x80xi32>
    %rem3A_152 = vector.broadcast %jit3A_131 : i32 to vector<512x80xi32>
    %rem3A_153 = arith.remsi %iota3A_130, %rem3A_152 : vector<512x80xi32>
    %ne3A_154 = arith.constant 0 : i32
    %ne3A_155 = vector.broadcast %ne3A_154 : i32 to vector<512x80xi32>
    %ne3A_156 = arith.cmpi ne, %rem3A_153, %ne3A_155 : vector<512x80xi32>
    %and3A_157 = arith.andi %ne3A_151, %ne3A_156 : vector<512x80xi1>
    %sub3A_158 = arith.constant 1 : i32
    %sub3A_159 = vector.broadcast %sub3A_158 : i32 to vector<512x80xi32>
    %sub3A_160 = arith.subi %div3A_133, %sub3A_159 : vector<512x80xi32>
    %select_n3A_161 = arith.select %and3A_157, %sub3A_160, %div3A_133 : vector<512x80xi1>, vector<512x80xi32>
    %mul3A_162 = arith.constant 5 : i32
    %mul3A_163 = vector.broadcast %mul3A_162 : i32 to vector<512x80xi32>
    %mul3A_164 = arith.muli %select_n3A_161, %mul3A_163 : vector<512x80xi32>
    %sub3A_165 = arith.subi %iota3A_130, %mul3A_164 : vector<512x80xi32>
    %add3A_166 = arith.constant -3 : i32
    %add3A_167 = vector.broadcast %add3A_166 : i32 to vector<512x80xi32>
    %add3A_168 = arith.addi %sub3A_165, %add3A_167 : vector<512x80xi32>
    %convert_element_type3A_169 = arith.sitofp %add3A_168 : vector<512x80xi32> to vector<512x80xf32>
    %add3A_170 = arith.addf %convert_element_type3A_169, %add3A_117 : vector<512x80xf32>
    %convert_element_type3A_171 = arith.sitofp %add3A_76 : vector<512x1xi32> to vector<512x1xf32>
    %add3A_172 = vector.broadcast %convert_element_type3A_171 : vector<512x1xf32> to vector<512x80xf32>
    %add3A_173 = arith.addf %add3A_170, %add3A_172 : vector<512x80xf32>
    %rem3A_174 = vector.broadcast %sub3A_129 : f32 to vector<512x80xf32>
    %rem3A_175 = arith.remf %add3A_173, %rem3A_174 : vector<512x80xf32>
    %ne3A_176 = arith.constant 0.000000e+00 : f32
    %ne3A_177 = vector.broadcast %ne3A_176 : f32 to vector<512x80xf32>
    %ne3A_178 = arith.cmpf one, %rem3A_175, %ne3A_177 : vector<512x80xf32>
    %lt3A_179 = arith.constant 0.000000e+00 : f32
    %lt3A_180 = vector.broadcast %lt3A_179 : f32 to vector<512x80xf32>
    %lt3A_181 = arith.cmpf olt, %rem3A_175, %lt3A_180 : vector<512x80xf32>
    %lt3A_182 = arith.constant 0.000000e+00 : f32
    %lt3A_183 = arith.cmpf olt, %sub3A_129, %lt3A_182 : f32
    %ne3A_184 = vector.broadcast %lt3A_183 : i1 to vector<512x80xi1>
    %ne3A_185 = vector.broadcast %ne3A_184 : vector<512x80xi1> to vector<512x80xi1>
    %ne3A_186 = arith.xori %lt3A_181, %ne3A_185 : vector<512x80xi1>
    %and3A_187 = arith.andi %ne3A_186, %ne3A_178 : vector<512x80xi1>
    %add3A_188 = vector.broadcast %sub3A_129 : f32 to vector<512x80xf32>
    %add3A_189 = arith.addf %rem3A_175, %add3A_188 : vector<512x80xf32>
    %select_n3A_190 = arith.select %and3A_187, %add3A_189, %rem3A_175 : vector<512x80xi1>, vector<512x80xf32>
    %div3A_191 = arith.constant 2.047000e+03 : f32
    %div3A_192 = vector.broadcast %div3A_191 : f32 to vector<512x80xf32>
    %div3A_193 = arith.divf %select_n3A_190, %div3A_192 : vector<512x80xf32>
    %mul3A_194 = arith.constant 2.000000e+00 : f32
    %mul3A_195 = vector.broadcast %mul3A_194 : f32 to vector<512x80xf32>
    %mul3A_196 = arith.mulf %div3A_193, %mul3A_195 : vector<512x80xf32>
    %sub3A_197 = arith.constant 1.000000e+00 : f32
    %sub3A_198 = vector.broadcast %sub3A_197 : f32 to vector<512x80xf32>
    %sub3A_199 = arith.subf %mul3A_196, %sub3A_198 : vector<512x80xf32>
    %add3A_200 = arith.constant 1.000000e+00 : f32
    %add3A_201 = vector.broadcast %add3A_200 : f32 to vector<512x80xf32>
    %add3A_202 = arith.addf %sub3A_199, %add3A_201 : vector<512x80xf32>
    %mul3A_203 = arith.constant 2.048000e+03 : f32
    %mul3A_204 = vector.broadcast %mul3A_203 : f32 to vector<512x80xf32>
    %mul3A_205 = arith.mulf %add3A_202, %mul3A_204 : vector<512x80xf32>
    %sub3A_206 = arith.constant 1.000000e+00 : f32
    %sub3A_207 = vector.broadcast %sub3A_206 : f32 to vector<512x80xf32>
    %sub3A_208 = arith.subf %mul3A_205, %sub3A_207 : vector<512x80xf32>
    %div3A_209 = arith.constant 2.000000e+00 : f32
    %div3A_210 = vector.broadcast %div3A_209 : f32 to vector<512x80xf32>
    %div3A_211 = arith.divf %sub3A_208, %div3A_210 : vector<512x80xf32>
    %floor3A = math.floor %div3A_211 : vector<512x80xf32>
    %sub3A_212 = arith.subf %div3A_211, %floor3A : vector<512x80xf32>
    %sub3A_213 = arith.constant 1.000000e+00 : f32
    %sub3A_214 = vector.broadcast %sub3A_213 : f32 to vector<512x80xf32>
    %sub3A_215 = arith.subf %sub3A_214, %sub3A_212 : vector<512x80xf32>
    %convert_element_type3A_216 = arith.fptosi %floor3A : vector<512x80xf32> to vector<512x80xi32>
    %add3A_217 = arith.constant 1 : i32
    %add3A_218 = vector.broadcast %add3A_217 : i32 to vector<512x80xi32>
    %add3A_219 = arith.addi %convert_element_type3A_216, %add3A_218 : vector<512x80xi32>
    %ge3A_220 = arith.constant 0 : i32
    %ge3A_221 = vector.broadcast %ge3A_220 : i32 to vector<512x80xi32>
    %ge3A_222 = arith.cmpi sge, %convert_element_type3A_216, %ge3A_221 : vector<512x80xi32>
    %lt3A_223 = arith.constant 2048 : i32
    %lt3A_224 = vector.broadcast %lt3A_223 : i32 to vector<512x80xi32>
    %lt3A_225 = arith.cmpi slt, %convert_element_type3A_216, %lt3A_224 : vector<512x80xi32>
    %and3A_226 = arith.andi %ge3A_222, %lt3A_225 : vector<512x80xi1>
    %convert_element_type3A_227 = arith.extui %and3A_226 : vector<512x80xi1> to vector<512x80xi32>
    %convert_element_type3A_228 = arith.sitofp %convert_element_type3A_227 : vector<512x80xi32> to vector<512x80xf32>
    %ge3A_229 = arith.constant 0 : i32
    %ge3A_230 = vector.broadcast %ge3A_229 : i32 to vector<512x80xi32>
    %ge3A_231 = arith.cmpi sge, %add3A_219, %ge3A_230 : vector<512x80xi32>
    %lt3A_232 = arith.constant 2048 : i32
    %lt3A_233 = vector.broadcast %lt3A_232 : i32 to vector<512x80xi32>
    %lt3A_234 = arith.cmpi slt, %add3A_219, %lt3A_233 : vector<512x80xi32>
    %and3A_235 = arith.andi %ge3A_231, %lt3A_234 : vector<512x80xi1>
    %convert_element_type3A_236 = arith.extui %and3A_235 : vector<512x80xi1> to vector<512x80xi32>
    %convert_element_type3A_237 = arith.sitofp %convert_element_type3A_236 : vector<512x80xi32> to vector<512x80xf32>
    %mul3A_238 = arith.constant 32768 : i32
    %mul3A_239 = arith.muli %select_n3A, %mul3A_238 : i32
    %mul3A_240 = arith.constant 2048 : i32
    %mul3A_241 = vector.broadcast %mul3A_240 : i32 to vector<512x80xi32>
    %mul3A_242 = arith.muli %select_n3A_161, %mul3A_241 : vector<512x80xi32>
    %add3A_243 = vector.broadcast %mul3A_239 : i32 to vector<512x80xi32>
    %add3A_244 = arith.addi %add3A_243, %mul3A_242 : vector<512x80xi32>
    %jit3A_245 = arith.constant 0 : i32
    %jit3A_246 = arith.constant 2047 : i32
    %max3A_247 = vector.broadcast %jit3A_245 : i32 to vector<512x80xi32>
    %max3A_248 = arith.maxsi %max3A_247, %convert_element_type3A_216 : vector<512x80xi32>
    %min3A = vector.broadcast %jit3A_246 : i32 to vector<512x80xi32>
    %min3A_249 = arith.minsi %min3A, %max3A_248 : vector<512x80xi32>
    %add3A_250 = arith.addi %add3A_244, %min3A_249 : vector<512x80xi32>
    %swap3A_251 = arith.constant 0 : index
    %swap3A_252 = arith.constant 0 : index
    %swap3A_253 = vector.load %arg16[%swap3A_251, %swap3A_252] : memref<512x80xi32, #tpu.memory_space<vmem>>, vector<512x80xi32>
    tpu.vector_store %arg16[%swap3A_251, %swap3A_252], %add3A_250 {strides = array<i32>} : memref<512x80xi32, #tpu.memory_space<vmem>>, vector<512x80xi32>,
    %jit3A_254 = arith.constant 0 : i32
    %jit3A_255 = arith.constant 2047 : i32
    %max3A_256 = vector.broadcast %jit3A_254 : i32 to vector<512x80xi32>
    %max3A_257 = arith.maxsi %max3A_256, %add3A_219 : vector<512x80xi32>
    %min3A_258 = vector.broadcast %jit3A_255 : i32 to vector<512x80xi32>
    %min3A_259 = arith.minsi %min3A_258, %max3A_257 : vector<512x80xi32>
    %add3A_260 = arith.addi %add3A_244, %min3A_259 : vector<512x80xi32>
    %swap3A_261 = arith.constant 0 : index
    %swap3A_262 = arith.constant 0 : index
    %swap3A_263 = vector.load %arg17[%swap3A_261, %swap3A_262] : memref<512x80xi32, #tpu.memory_space<vmem>>, vector<512x80xi32>
    tpu.vector_store %arg17[%swap3A_261, %swap3A_262], %add3A_260 {strides = array<i32>} : memref<512x80xi32, #tpu.memory_space<vmem>>, vector<512x80xi32>,
    %iota3A_264 = tpu.iota {dimensions = array<i32: 0>} : vector<80x1280xi32>
    %iota3A_265 = tpu.iota {dimensions = array<i32: 1>} : vector<80x1280xi32>
    %jit3A_266 = arith.constant 16 : i32
    %div3A_267 = vector.broadcast %jit3A_266 : i32 to vector<80x1280xi32>
    %div3A_268 = arith.divsi %iota3A_265, %div3A_267 : vector<80x1280xi32>
    %sign3A_269 = arith.constant 0 : i32
    %sign3A_270 = vector.broadcast %sign3A_269 : i32 to vector<80x1280xi32>
    %sign3A_271 = arith.cmpi sgt, %iota3A_265, %sign3A_270 : vector<80x1280xi32>
    %sign3A_272 = arith.extui %sign3A_271 : vector<80x1280xi1> to vector<80x1280xi32>
    %sign3A_273 = arith.constant 0 : i32
    %sign3A_274 = vector.broadcast %sign3A_273 : i32 to vector<80x1280xi32>
    %sign3A_275 = arith.cmpi slt, %iota3A_265, %sign3A_274 : vector<80x1280xi32>
    %sign3A_276 = arith.extui %sign3A_275 : vector<80x1280xi1> to vector<80x1280xi32>
    %sign3A_277 = arith.subi %sign3A_272, %sign3A_276 : vector<80x1280xi32>
    %sign3A_278 = arith.constant 0 : i32
    %sign3A_279 = arith.cmpi sgt, %jit3A_266, %sign3A_278 : i32
    %sign3A_280 = arith.extui %sign3A_279 : i1 to i32
    %sign3A_281 = arith.constant 0 : i32
    %sign3A_282 = arith.cmpi slt, %jit3A_266, %sign3A_281 : i32
    %sign3A_283 = arith.extui %sign3A_282 : i1 to i32
    %sign3A_284 = arith.subi %sign3A_280, %sign3A_283 : i32
    %ne3A_285 = vector.broadcast %sign3A_284 : i32 to vector<80x1280xi32>
    %ne3A_286 = arith.cmpi ne, %sign3A_277, %ne3A_285 : vector<80x1280xi32>
    %rem3A_287 = vector.broadcast %jit3A_266 : i32 to vector<80x1280xi32>
    %rem3A_288 = arith.remsi %iota3A_265, %rem3A_287 : vector<80x1280xi32>
    %ne3A_289 = arith.constant 0 : i32
    %ne3A_290 = vector.broadcast %ne3A_289 : i32 to vector<80x1280xi32>
    %ne3A_291 = arith.cmpi ne, %rem3A_288, %ne3A_290 : vector<80x1280xi32>
    %and3A_292 = arith.andi %ne3A_286, %ne3A_291 : vector<80x1280xi1>
    %sub3A_293 = arith.constant 1 : i32
    %sub3A_294 = vector.broadcast %sub3A_293 : i32 to vector<80x1280xi32>
    %sub3A_295 = arith.subi %div3A_268, %sub3A_294 : vector<80x1280xi32>
    %select_n3A_296 = arith.select %and3A_292, %sub3A_295, %div3A_268 : vector<80x1280xi1>, vector<80x1280xi32>
    %eq3A_297 = arith.cmpi eq, %select_n3A_296, %iota3A_264 : vector<80x1280xi32>
    %convert_element_type3A_298 = arith.extui %eq3A_297 : vector<80x1280xi1> to vector<80x1280xi32>
    %convert_element_type3A_299 = arith.sitofp %convert_element_type3A_298 : vector<80x1280xi32> to vector<80x1280xf32>
    %mul3A_300 = arith.constant 5.000000e-01 : f32
    %mul3A_301 = vector.broadcast %mul3A_300 : f32 to vector<512x80xf32>
    %mul3A_302 = arith.mulf %mul3A_301, %sub3A_215 : vector<512x80xf32>
    %mul3A_303 = arith.mulf %mul3A_302, %convert_element_type3A_228 : vector<512x80xf32>
    %dot_general3A_304 = arith.constant dense<0.000000e+00> : vector<512x1280xf32>
    %dot_general3A_305 = tpu.matmul %mul3A_303, %convert_element_type3A_299, %dot_general3A_304 {dimension_numbers = #tpu.dot_dimension_numbers<[1], [0], [0], [1], [0, 0, 1, 1], [], []>, transpose_lhs_hint = false} : vector<512x80xf32>, vector<80x1280xf32>, vector<512x1280xf32> -> vector<512x1280xf32>
    %swap3A_306 = arith.constant 0 : index
    %swap3A_307 = arith.constant 0 : index
    %swap3A_308 = vector.load %arg18[%swap3A_306, %swap3A_307] : memref<512x1280xf32, #tpu.memory_space<vmem>>, vector<512x1280xf32>
    tpu.vector_store %arg18[%swap3A_306, %swap3A_307], %dot_general3A_305 {strides = array<i32>} : memref<512x1280xf32, #tpu.memory_space<vmem>>, vector<512x1280xf32>,
    %mul3A_309 = arith.constant 5.000000e-01 : f32
    %mul3A_310 = vector.broadcast %mul3A_309 : f32 to vector<512x80xf32>
    %mul3A_311 = arith.mulf %mul3A_310, %sub3A_212 : vector<512x80xf32>
    %mul3A_312 = arith.mulf %mul3A_311, %convert_element_type3A_237 : vector<512x80xf32>
    %dot_general3A_313 = arith.constant dense<0.000000e+00> : vector<512x1280xf32>
    %dot_general3A_314 = tpu.matmul %mul3A_312, %convert_element_type3A_299, %dot_general3A_313 {dimension_numbers = #tpu.dot_dimension_numbers<[1], [0], [0], [1], [0, 0, 1, 1], [], []>, transpose_lhs_hint = false} : vector<512x80xf32>, vector<80x1280xf32>, vector<512x1280xf32> -> vector<512x1280xf32>
    %swap3A_315 = arith.constant 0 : index
    %swap3A_316 = arith.constant 0 : index
    %swap3A_317 = vector.load %arg19[%swap3A_315, %swap3A_316] : memref<512x1280xf32, #tpu.memory_space<vmem>>, vector<512x1280xf32>
    tpu.vector_store %arg19[%swap3A_315, %swap3A_316], %dot_general3A_314 {strides = array<i32>} : memref<512x1280xf32, #tpu.memory_space<vmem>>, vector<512x1280xf32>,
    return
  }
  func.func @transform_0(%arg0: i32) -> (i32, i32) {
    %c0_i32 = arith.constant 0 : i32
    %c0_i32_0 = arith.constant 0 : i32
    return %arg0, %c0_i32 : i32, i32
  }
  func.func @transform_1(%arg0: i32) -> (i32, i32) {
    %c0_i32 = arith.constant 0 : i32
    %c0_i32_0 = arith.constant 0 : i32
    return %arg0, %c0_i32 : i32, i32
  }
  func.func @transform_2(%arg0: i32) -> (i32, i32) {
    %c0_i32 = arith.constant 0 : i32
    %c0_i32_0 = arith.constant 0 : i32
    %c0_i32_1 = arith.constant 0 : i32
    return %c0_i32, %c0_i32_0 : i32, i32
  }
  func.func @transform_3(%arg0: i32) -> (i32, i32, i32) {
    %c0_i32 = arith.constant 0 : i32
    %c0_i32_0 = arith.constant 0 : i32
    %c0_i32_1 = arith.constant 0 : i32
    %c0_i32_2 = arith.constant 0 : i32
    return %c0_i32, %c0_i32_0, %c0_i32_1 : i32, i32, i32
  }
  func.func @transform_4(%arg0: i32) -> (i32, i32) {
    %c0_i32 = arith.constant 0 : i32
    %c0_i32_0 = arith.constant 0 : i32
    %c0_i32_1 = arith.constant 0 : i32
    return %c0_i32, %c0_i32_0 : i32, i32
  }
  func.func @transform_5(%arg0: i32) -> (i32, i32) {
    %c0_i32 = arith.constant 0 : i32
    %c0_i32_0 = arith.constant 0 : i32
    %c0_i32_1 = arith.constant 0 : i32
    return %c0_i32, %c0_i32_0 : i32, i32
  }
  func.func @transform_6(%arg0: i32) -> (i32, i32) {
    %c0_i32 = arith.constant 0 : i32
    %c0_i32_0 = arith.constant 0 : i32
    %c0_i32_1 = arith.constant 0 : i32
    return %c0_i32, %c0_i32_0 : i32, i32
  }
  func.func @transform_7(%arg0: i32) -> (i32, i32) {
    %c0_i32 = arith.constant 0 : i32
    %c0_i32_0 = arith.constant 0 : i32
    %c0_i32_1 = arith.constant 0 : i32
    return %c0_i32, %c0_i32_0 : i32, i32
  }
  func.func @transform_8(%arg0: i32) -> (i32, i32) {
    %c0_i32 = arith.constant 0 : i32
    %c0_i32_0 = arith.constant 0 : i32
    %c0_i32_1 = arith.constant 0 : i32
    return %c0_i32, %c0_i32_0 : i32, i32
  }
  func.func @transform_9(%arg0: i32) -> (i32, i32) {
    %c0_i32 = arith.constant 0 : i32
    %c0_i32_0 = arith.constant 0 : i32
    %c0_i32_1 = arith.constant 0 : i32
    return %c0_i32, %c0_i32_0 : i32, i32
  }
  func.func @transform_10(%arg0: i32) -> (i32, i32) {
    %c0_i32 = arith.constant 0 : i32
    %c0_i32_0 = arith.constant 0 : i32
    %c0_i32_1 = arith.constant 0 : i32
    return %c0_i32, %c0_i32_0 : i32, i32
  }
  func.func @transform_11(%arg0: i32) -> (i32, i32) {
    %c0_i32 = arith.constant 0 : i32
    %c0_i32_0 = arith.constant 0 : i32
    %c0_i32_1 = arith.constant 0 : i32
    return %c0_i32, %c0_i32_0 : i32, i32
  }
  func.func @transform_12(%arg0: i32) -> (i32, i32) {
    %c0_i32 = arith.constant 0 : i32
    %c0_i32_0 = arith.constant 0 : i32
    return %arg0, %c0_i32 : i32, i32
  }
  func.func @transform_13(%arg0: i32) -> (i32, i32) {
    %c0_i32 = arith.constant 0 : i32
    %c0_i32_0 = arith.constant 0 : i32
    return %arg0, %c0_i32 : i32, i32
  }
  func.func @transform_14(%arg0: i32) -> (i32, i32) {
    %c0_i32 = arith.constant 0 : i32
    %c0_i32_0 = arith.constant 0 : i32
    return %arg0, %c0_i32 : i32, i32
  }
  func.func @transform_15(%arg0: i32) -> (i32, i32) {
    %c0_i32 = arith.constant 0 : i32
    %c0_i32_0 = arith.constant 0 : i32
    return %arg0, %c0_i32 : i32, i32
  }
  func.func @transform_16(%arg0: i32) -> (i32, i32) {
    %c0_i32 = arith.constant 0 : i32
    %c0_i32_0 = arith.constant 0 : i32
    return %arg0, %c0_i32 : i32, i32
  }
  func.func @transform_17(%arg0: i32) -> (i32, i32) {
    %c0_i32 = arith.constant 0 : i32
    %c0_i32_0 = arith.constant 0 : i32
    return %arg0, %c0_i32 : i32, i32
  }
  func.func @transform_18(%arg0: i32) -> (i32, i32) {
    %c0_i32 = arith.constant 0 : i32
    %c0_i32_0 = arith.constant 0 : i32
    return %arg0, %c0_i32 : i32, i32
  }
}

module attributes {stable_mosaic.version = 14 : i64} {
  func.func @_attn_body(%arg0: i32, %arg1: memref<1024x400xf32, #tpu.memory_space<vmem>>, %arg2: memref<1024x64xf32, #tpu.memory_space<vmem>>) attributes {dimension_semantics = [#tpu.dimension_semantics<arbitrary>], iteration_bounds = array<i64: 64>, scalar_prefetch = 0 : i64, scratch_operands = 0 : i64, tpu.core_type = #tpu.core_type<tc>, window_params = [{transform_indices = @transform_0, window_bounds = array<i64: 1024, 400>}, {transform_indices = @transform_1, window_bounds = array<i64: 1024, 64>}]} {
    %get3A = arith.constant 0 : index
    %get3A_0 = arith.constant 0 : index
    %get3A_1 = vector.load %arg1[%get3A, %get3A_0] : memref<1024x400xf32, #tpu.memory_space<vmem>>, vector<1024x400xf32>
    %slice3A = vector.extract_strided_slice %get3A_1 {offsets = [0, 0], sizes = [1024, 16], strides = [1, 1]} : vector<1024x400xf32> to vector<1024x16xf32>
    %reduce_sum3A = arith.constant dense<0.000000e+00> : vector<1024xf32>
    %reduce_sum3A_2 = vector.multi_reduction <add>, %slice3A, %reduce_sum3A [1] : vector<1024x16xf32> to vector<1024xf32>
    %broadcast_in_dim3A = vector.shape_cast %reduce_sum3A_2 : vector<1024xf32> to vector<1024x1xf32>
    %slice3A_3 = vector.extract_strided_slice %get3A_1 {offsets = [0, 16], sizes = [1024, 16], strides = [1, 1]} : vector<1024x400xf32> to vector<1024x16xf32>
    %reduce_sum3A_4 = arith.constant dense<0.000000e+00> : vector<1024xf32>
    %reduce_sum3A_5 = vector.multi_reduction <add>, %slice3A_3, %reduce_sum3A_4 [1] : vector<1024x16xf32> to vector<1024xf32>
    %broadcast_in_dim3A_6 = vector.shape_cast %reduce_sum3A_5 : vector<1024xf32> to vector<1024x1xf32>
    %slice3A_7 = vector.extract_strided_slice %get3A_1 {offsets = [0, 32], sizes = [1024, 16], strides = [1, 1]} : vector<1024x400xf32> to vector<1024x16xf32>
    %reduce_sum3A_8 = arith.constant dense<0.000000e+00> : vector<1024xf32>
    %reduce_sum3A_9 = vector.multi_reduction <add>, %slice3A_7, %reduce_sum3A_8 [1] : vector<1024x16xf32> to vector<1024xf32>
    %broadcast_in_dim3A_10 = vector.shape_cast %reduce_sum3A_9 : vector<1024xf32> to vector<1024x1xf32>
    %slice3A_11 = vector.extract_strided_slice %get3A_1 {offsets = [0, 48], sizes = [1024, 16], strides = [1, 1]} : vector<1024x400xf32> to vector<1024x16xf32>
    %reduce_sum3A_12 = arith.constant dense<0.000000e+00> : vector<1024xf32>
    %reduce_sum3A_13 = vector.multi_reduction <add>, %slice3A_11, %reduce_sum3A_12 [1] : vector<1024x16xf32> to vector<1024xf32>
    %broadcast_in_dim3A_14 = vector.shape_cast %reduce_sum3A_13 : vector<1024xf32> to vector<1024x1xf32>
    %slice3A_15 = vector.extract_strided_slice %get3A_1 {offsets = [0, 64], sizes = [1024, 16], strides = [1, 1]} : vector<1024x400xf32> to vector<1024x16xf32>
    %reduce_sum3A_16 = arith.constant dense<0.000000e+00> : vector<1024xf32>
    %reduce_sum3A_17 = vector.multi_reduction <add>, %slice3A_15, %reduce_sum3A_16 [1] : vector<1024x16xf32> to vector<1024xf32>
    %broadcast_in_dim3A_18 = vector.shape_cast %reduce_sum3A_17 : vector<1024xf32> to vector<1024x1xf32>
    %max3A = arith.maximumf %broadcast_in_dim3A, %broadcast_in_dim3A_6 : vector<1024x1xf32>
    %max3A_19 = arith.maximumf %broadcast_in_dim3A_10, %broadcast_in_dim3A_14 : vector<1024x1xf32>
    %max3A_20 = arith.maximumf %max3A, %max3A_19 : vector<1024x1xf32>
    %max3A_21 = arith.maximumf %max3A_20, %broadcast_in_dim3A_18 : vector<1024x1xf32>
    %sub3A = arith.subf %broadcast_in_dim3A, %max3A_21 : vector<1024x1xf32>
    %exp3A = math.exp %sub3A : vector<1024x1xf32>
    %sub3A_22 = arith.subf %broadcast_in_dim3A_6, %max3A_21 : vector<1024x1xf32>
    %exp3A_23 = math.exp %sub3A_22 : vector<1024x1xf32>
    %sub3A_24 = arith.subf %broadcast_in_dim3A_10, %max3A_21 : vector<1024x1xf32>
    %exp3A_25 = math.exp %sub3A_24 : vector<1024x1xf32>
    %sub3A_26 = arith.subf %broadcast_in_dim3A_14, %max3A_21 : vector<1024x1xf32>
    %exp3A_27 = math.exp %sub3A_26 : vector<1024x1xf32>
    %sub3A_28 = arith.subf %broadcast_in_dim3A_18, %max3A_21 : vector<1024x1xf32>
    %exp3A_29 = math.exp %sub3A_28 : vector<1024x1xf32>
    %add3A = arith.addf %exp3A, %exp3A_23 : vector<1024x1xf32>
    %add3A_30 = arith.addf %add3A, %exp3A_25 : vector<1024x1xf32>
    %add3A_31 = arith.addf %add3A_30, %exp3A_27 : vector<1024x1xf32>
    %add3A_32 = arith.addf %add3A_31, %exp3A_29 : vector<1024x1xf32>
    %broadcast_in_dim3A_33 = arith.constant 0.000000e+00 : f32
    %broadcast_in_dim3A_34 = vector.broadcast %broadcast_in_dim3A_33 : f32 to vector<1024x64xf32>
    %div3A = arith.divf %exp3A, %add3A_32 : vector<1024x1xf32>
    %slice3A_35 = vector.extract_strided_slice %get3A_1 {offsets = [0, 80], sizes = [1024, 64], strides = [1, 1]} : vector<1024x400xf32> to vector<1024x64xf32>
    %mul3A = vector.broadcast %div3A : vector<1024x1xf32> to vector<1024x64xf32>
    %mul3A_36 = arith.mulf %mul3A, %slice3A_35 : vector<1024x64xf32>
    %add3A_37 = arith.addf %broadcast_in_dim3A_34, %mul3A_36 : vector<1024x64xf32>
    %div3A_38 = arith.divf %exp3A_23, %add3A_32 : vector<1024x1xf32>
    %slice3A_39 = vector.extract_strided_slice %get3A_1 {offsets = [0, 144], sizes = [1024, 64], strides = [1, 1]} : vector<1024x400xf32> to vector<1024x64xf32>
    %mul3A_40 = vector.broadcast %div3A_38 : vector<1024x1xf32> to vector<1024x64xf32>
    %mul3A_41 = arith.mulf %mul3A_40, %slice3A_39 : vector<1024x64xf32>
    %add3A_42 = arith.addf %add3A_37, %mul3A_41 : vector<1024x64xf32>
    %div3A_43 = arith.divf %exp3A_25, %add3A_32 : vector<1024x1xf32>
    %slice3A_44 = vector.extract_strided_slice %get3A_1 {offsets = [0, 208], sizes = [1024, 64], strides = [1, 1]} : vector<1024x400xf32> to vector<1024x64xf32>
    %mul3A_45 = vector.broadcast %div3A_43 : vector<1024x1xf32> to vector<1024x64xf32>
    %mul3A_46 = arith.mulf %mul3A_45, %slice3A_44 : vector<1024x64xf32>
    %add3A_47 = arith.addf %add3A_42, %mul3A_46 : vector<1024x64xf32>
    %div3A_48 = arith.divf %exp3A_27, %add3A_32 : vector<1024x1xf32>
    %slice3A_49 = vector.extract_strided_slice %get3A_1 {offsets = [0, 272], sizes = [1024, 64], strides = [1, 1]} : vector<1024x400xf32> to vector<1024x64xf32>
    %mul3A_50 = vector.broadcast %div3A_48 : vector<1024x1xf32> to vector<1024x64xf32>
    %mul3A_51 = arith.mulf %mul3A_50, %slice3A_49 : vector<1024x64xf32>
    %add3A_52 = arith.addf %add3A_47, %mul3A_51 : vector<1024x64xf32>
    %div3A_53 = arith.divf %exp3A_29, %add3A_32 : vector<1024x1xf32>
    %slice3A_54 = vector.extract_strided_slice %get3A_1 {offsets = [0, 336], sizes = [1024, 64], strides = [1, 1]} : vector<1024x400xf32> to vector<1024x64xf32>
    %mul3A_55 = vector.broadcast %div3A_53 : vector<1024x1xf32> to vector<1024x64xf32>
    %mul3A_56 = arith.mulf %mul3A_55, %slice3A_54 : vector<1024x64xf32>
    %add3A_57 = arith.addf %add3A_52, %mul3A_56 : vector<1024x64xf32>
    %swap3A = arith.constant 0 : index
    %swap3A_58 = arith.constant 0 : index
    %swap3A_59 = vector.load %arg2[%swap3A, %swap3A_58] : memref<1024x64xf32, #tpu.memory_space<vmem>>, vector<1024x64xf32>
    tpu.vector_store %arg2[%swap3A, %swap3A_58], %add3A_57 {strides = array<i32>} : memref<1024x64xf32, #tpu.memory_space<vmem>>, vector<1024x64xf32>,
    return
  }
  func.func @transform_0(%arg0: i32) -> (i32, i32) {
    %c0_i32 = arith.constant 0 : i32
    %c0_i32_0 = arith.constant 0 : i32
    return %arg0, %c0_i32 : i32, i32
  }
  func.func @transform_1(%arg0: i32) -> (i32, i32) {
    %c0_i32 = arith.constant 0 : i32
    %c0_i32_0 = arith.constant 0 : i32
    return %arg0, %c0_i32 : i32, i32
  }
}

module attributes {stable_mosaic.version = 14 : i64} {
  func.func @_matmul_bias_kernel(%arg0: i32, %arg1: memref<512x1024xf32, #tpu.memory_space<vmem>>, %arg2: memref<1024x1024xf32, #tpu.memory_space<vmem>>, %arg3: memref<1x1024xf32, #tpu.memory_space<vmem>>, %arg4: memref<512x1024xf32, #tpu.memory_space<vmem>>) attributes {dimension_semantics = [#tpu.dimension_semantics<arbitrary>], iteration_bounds = array<i64: 8>, scalar_prefetch = 0 : i64, scratch_operands = 0 : i64, tpu.core_type = #tpu.core_type<tc>, window_params = [{transform_indices = @transform_0, window_bounds = array<i64: 512, 1024>}, {pipeline_mode = #tpu.pipeline_mode<synchronous>, transform_indices = @transform_1, window_bounds = array<i64: 1024, 1024>}, {pipeline_mode = #tpu.pipeline_mode<synchronous>, transform_indices = @transform_2, window_bounds = array<i64: 1, 1024>}, {transform_indices = @transform_3, window_bounds = array<i64: 512, 1024>}]} {
    %get3A = arith.constant 0 : index
    %get3A_0 = arith.constant 0 : index
    %get3A_1 = vector.load %arg1[%get3A, %get3A_0] : memref<512x1024xf32, #tpu.memory_space<vmem>>, vector<512x1024xf32>
    %get3A_2 = arith.constant 0 : index
    %get3A_3 = arith.constant 0 : index
    %get3A_4 = vector.load %arg2[%get3A_2, %get3A_3] : memref<1024x1024xf32, #tpu.memory_space<vmem>>, vector<1024x1024xf32>
    %dot_general3A = arith.constant dense<0.000000e+00> : vector<512x1024xf32>
    %dot_general3A_5 = tpu.matmul %get3A_1, %get3A_4, %dot_general3A {dimension_numbers = #tpu.dot_dimension_numbers<[1], [0], [0], [1], [0, 0, 1, 1], [], []>, transpose_lhs_hint = false} : vector<512x1024xf32>, vector<1024x1024xf32>, vector<512x1024xf32> -> vector<512x1024xf32>
    %get3A_6 = arith.constant 0 : index
    %get3A_7 = arith.constant 0 : index
    %get3A_8 = vector.load %arg3[%get3A_6, %get3A_7] : memref<1x1024xf32, #tpu.memory_space<vmem>>, vector<1x1024xf32>
    %add3A = vector.broadcast %get3A_8 : vector<1x1024xf32> to vector<512x1024xf32>
    %add3A_9 = arith.addf %dot_general3A_5, %add3A : vector<512x1024xf32>
    %swap3A = arith.constant 0 : index
    %swap3A_10 = arith.constant 0 : index
    %swap3A_11 = vector.load %arg4[%swap3A, %swap3A_10] : memref<512x1024xf32, #tpu.memory_space<vmem>>, vector<512x1024xf32>
    tpu.vector_store %arg4[%swap3A, %swap3A_10], %add3A_9 {strides = array<i32>} : memref<512x1024xf32, #tpu.memory_space<vmem>>, vector<512x1024xf32>,
    return
  }
  func.func @transform_0(%arg0: i32) -> (i32, i32) {
    %c0_i32 = arith.constant 0 : i32
    %c0_i32_0 = arith.constant 0 : i32
    return %arg0, %c0_i32 : i32, i32
  }
  func.func @transform_1(%arg0: i32) -> (i32, i32) {
    %c0_i32 = arith.constant 0 : i32
    %c0_i32_0 = arith.constant 0 : i32
    %c0_i32_1 = arith.constant 0 : i32
    return %c0_i32, %c0_i32_0 : i32, i32
  }
  func.func @transform_2(%arg0: i32) -> (i32, i32) {
    %c0_i32 = arith.constant 0 : i32
    %c0_i32_0 = arith.constant 0 : i32
    %c0_i32_1 = arith.constant 0 : i32
    return %c0_i32, %c0_i32_0 : i32, i32
  }
  func.func @transform_3(%arg0: i32) -> (i32, i32) {
    %c0_i32 = arith.constant 0 : i32
    %c0_i32_0 = arith.constant 0 : i32
    return %arg0, %c0_i32 : i32, i32
  }
}

</mosaic_0001>

<sc_bundles>
// kernel: kernel.6.cloned.1.call-start
scs
__scs_entry_jumppad:
0x0: {  	(pc) =	sbr.rel $0x88, $3  }
0x1: {  	(tag) =	ssettag $0x0;
	lr =	simm.s32 $0x1  }
0x2: {  	[smem:$0x3F93] =	sst lr;
	_ =	strace $0xD0000000  }
0x3: {  	_ = 	snop  }
0x4: {  	_ = 	snop  }
0x5: {  	_ = 	snop  }
0x6: {  	_ = 	snop  }
0x7: {  	_ = 	snop  }
__scs_overlays_trampoline_lowered:
0x8: {  	[smem:$0x3FA2] =	sst s0  }
0x9: {  	[smem:$0x3FA3] =	sst s1  }
0xa: {  	[smem:$0x3FA4] =	sst s2  }
0xb: {  	[smem:$0x3FA5] =	sst s3  }
0xc: {  	[smem:$0x3FA6] =	sst s4  }
0xd: {  	[smem:$0x3FA7] =	sst s5  }
0xe: {  	[smem:$0x3FA8] =	sst s6  }
0xf: {  	[smem:$0x3FA9] =	sst s7  }
0x10: {  	[smem:$0x3FAA] =	sst s8  }
0x11: {  	[smem:$0x3FAB] =	sst s9;
	s0 =	simm.s32 @!p0 $0x0  }
0x12: {  	s1 =	sld [smem:$0x3F91];
	s0 =	simm.s32 @p0 $0x1  }
0x13: {  	[smem:$0x3FAC] =	sst s0;
	s0 =	simm.s32 @!p1 $0x0  }
0x14: {  	s2 =	sld [smem:$0x3F90];
	s0 =	simm.s32 @p1 $0x1  }
0x15: {  	[smem:$0x3FAD] =	sst s0;
	s0 =	simm.s32 @!p2 $0x0  }
0x16: {  	s3 =	sld [smem:$0x3FDB];
	s0 =	simm.s32 @p2 $0x1  }
0x17: {  	s4 =	simm.s32 $0x1BF5;
	[smem:$0x3FAF] =	sst s0  }
0x18: {  	s0 =	sld [smem:$0x3F92];
	_ =	swait.ge [sflag:s4], $0x0  }
0x19: {  	s7 =	sld [smem:$0x3F93]  }
0x1a: {  	s8 =	sadd.s32 $0xFFFFE003, lr  }
0x1b: {  	s9 =	sadd.s32 $0xFFFFFEF7, lr;
	s5 =	simm.s32 $0xFFFFFFFF;
	p2 =	slt.u32 s8, $0xFFFFF086  }
0x1c: {  	p1 =	slt.u32 s9, $0xF7A;
	s5 =	simm.s32 @!p2 $0x0  }
0x1d: {  	s5 =	simm.s32 @p1 $0x1;
	p0 =	seq.s32 s7, s2  }
0x1e: {  	s7 =	smul.u32 @!p0 $0xF7A, s2;
	p2 =	seq.s32 @!p0 s5, $0x0  }
0x1f: {  	s9 =	smul.u32 $0xF7A, s1;
	s8 =	simm.s32 @!p0 $0x1BF5;
	p2 =	por !p2, p0  }
0x20: {  	[sflag:s8] =	ssyncset.s32 @!p0 $0xFFFFF086;
	s6 =	sadd.s32 @!p0 s3, s7;
	s7 =	simm.s32 @!p0 $0x108  }
0x21: {  	s3 =	sadd.s32 s3, s9;
	s6 =	sadd.s32 @!p0 $0x88, s6;
	s7 =	simm.s32 @p2 $0x1082  }
0x22: {  	[simem:s7], [sflag:s8] =	dma.local @!p0 [hbm:s6], $0xF7A  }
0x23: {  	s9 =	sor.u32 $0xD0000000, s2;
	s6 =	simm.s32 $0x108;
	_ =	swait.ge @!p0 [sflag:s8], $0x0  }
0x24: {  	s3 =	sadd.s32 $0x88, s3;
	s6 =	simm.s32 @!p1 $0x1082;
	[sflag:s4] =	ssyncset.s32 $0xFFFFF086  }
0x25: {  	[simem:s6], [sflag:s4] =	dma.local [hbm:s3], $0xF7A  }
0x26: {  	[smem:$0x3F93] =	sst s1;
	(tag) =	ssettag s2;
	_ =	strace s9  }
0x27: {  	s1 =	sld [smem:$0x3FA3]  }
0x28: {  	s2 =	sld [smem:$0x3FA4]  }
0x29: {  	s4 =	sld [smem:$0x3FA6]  }
0x2a: {  	p0 =	seq.s32 s5, $0x0;
	s5 =	sld [smem:$0x3FA7]  }
0x2b: {  	s6 =	sld [smem:$0x3FA8]  }
0x2c: {  	s7 =	sld [smem:$0x3FA9]  }
0x2d: {  	s3 =	simm.s32 $0x108;
	s8 =	sld [smem:$0x3FAA]  }
0x2e: {  	s3 =	simm.s32 @!p0 $0x1082;
	s9 =	sld [smem:$0x3FAB]  }
0x2f: {  	lr =	sadd.s32 s0, s3;
	s0 =	sld [smem:$0x3FA2]  }
0x30: {  	s3 =	sld [smem:$0x3FA5]  }
0x31: {  	[smem:$0x3FAE] =	sst s10  }
0x32: {  	s10 =	sld [smem:$0x3FAC];
	_ =	sdelay $0x3  }
0x33: {  	p0 =	seq.s32 s10, $0x1;
	s10 =	sld [smem:$0x3FAE];
	_ =	sdelay $0x3  }
0x34: {  	[smem:$0x3FAE] =	sst s10  }
0x35: {  	s10 =	sld [smem:$0x3FAD];
	_ =	sdelay $0x3  }
0x36: {  	p1 =	seq.s32 s10, $0x1;
	s10 =	sld [smem:$0x3FAE];
	_ =	sdelay $0x3  }
0x37: {  	[smem:$0x3FAE] =	sst s10  }
0x38: {  	s10 =	sld [smem:$0x3FAF]  }
0x39: {  	_ = 	snop;
	(pc) =	sbr.ind lr, $3  }
0x3a: {  	_ = 	snop  }
0x3b: {  	_ = 	snop  }
0x3c: {  	p2 =	seq.s32 s10, $0x1;
	s10 =	sld [smem:$0x3FAE]  }
0x3d: {  	_ =	shalt  }
0x3e: {  	_ =	shalt  }
0x3f: {  	_ =	shalt  }
0x40: {  	_ =	shalt  }
0x41: {  	_ =	shalt  }
0x42: {  	_ =	shalt  }
0x43: {  	_ =	shalt  }
0x44: {  	_ =	shalt  }
0x45: {  	_ =	shalt  }
0x46: {  	_ =	shalt  }
0x47: {  	_ =	shalt  }
0x48: {  	_ =	shalt  }
0x49: {  	_ =	shalt  }
0x4a: {  	_ =	shalt  }
0x4b: {  	_ =	shalt  }
0x4c: {  	_ =	shalt  }
0x4d: {  	_ =	shalt  }
0x4e: {  	_ =	shalt  }
0x4f: {  	_ =	shalt  }
0x50: {  	_ =	shalt  }
0x51: {  	_ =	shalt  }
0x52: {  	_ =	shalt  }
0x53: {  	_ =	shalt  }
0x54: {  	_ =	shalt  }
0x55: {  	_ =	shalt  }
0x56: {  	_ =	shalt  }
0x57: {  	_ =	shalt  }
0x58: {  	_ =	shalt  }
0x59: {  	_ =	shalt  }
0x5a: {  	_ =	shalt  }
0x5b: {  	_ =	shalt  }
0x5c: {  	_ =	shalt  }
0x5d: {  	_ =	shalt  }
0x5e: {  	_ =	shalt  }
0x5f: {  	_ =	shalt  }
0x60: {  	_ =	shalt  }
0x61: {  	_ =	shalt  }
0x62: {  	_ =	shalt  }
0x63: {  	_ =	shalt  }
0x64: {  	_ =	shalt  }
0x65: {  	_ =	shalt  }
0x66: {  	_ =	shalt  }
0x67: {  	_ =	shalt  }
0x68: {  	_ =	shalt  }
0x69: {  	_ =	shalt  }
0x6a: {  	_ =	shalt  }
0x6b: {  	_ =	shalt  }
0x6c: {  	_ =	shalt  }
0x6d: {  	_ =	shalt  }
0x6e: {  	_ =	shalt  }
0x6f: {  	_ =	shalt  }
0x70: {  	_ =	shalt  }
0x71: {  	_ =	shalt  }
0x72: {  	_ =	shalt  }
0x73: {  	_ =	shalt  }
0x74: {  	_ =	shalt  }
0x75: {  	_ =	shalt  }
0x76: {  	_ =	shalt  }
0x77: {  	_ =	shalt  }
0x78: {  	_ =	shalt  }
0x79: {  	_ =	shalt  }
0x7a: {  	_ =	shalt  }
0x7b: {  	_ =	shalt  }
0x7c: {  	_ =	shalt  }
0x7d: {  	_ =	shalt  }
0x7e: {  	_ =	shalt  }
0x7f: {  	_ =	shalt  }
0x80: {  	_ =	shalt  }
0x81: {  	_ =	shalt  }
0x82: {  	_ =	shalt  }
0x83: {  	_ =	shalt  }
0x84: {  	_ =	shalt  }
0x85: {  	_ =	shalt  }
0x86: {  	_ =	shalt  }
0x87: {  	_ =	shalt  }
.Lfunc_end0:
.L_simem_size_0:
called_computation.1_lowered:
.L_overlay_start_0:
0x88: {  	s2 =	sld [smem:$0x3FD9]  }
0x89: {  	s3 =	sld [smem:$0x3FFE];
	_ =	sdelay $0x1  }
0x8a: {  	s1 =	srdreg.scid  }
0x8b: {  	s0 =	sand.u32 $0x1, s1  }
0x8c: {  	s17 =	sshll.u32 s0, $0xA;
	s2 =	sadd.s32 s3, s2  }
0x8d: {  	s2 =	sadd.s32 s2, s17  }
0x8e: {  	[smem:$0x3FBA] =	sst s2  }
0x8f: {  	_ = 	snop  }
0x90: {  	s2 =	sld [smem:$0x3FD0];
	(tm) =	ssettm $0x1  }
0x91: {  	s18 =	sld [smem:$0x3FFB];
	_ =	sdelay $0x3  }
0x92: {  	_ =	strace s18  }
0x93: {  	s3 =	sld [smem:$0x3FFC];
	_ =	sdelay $0x3  }
0x94: {  	_ =	strace s3  }
0x95: {  	s3 =	sld [smem:$0x3FFD];
	_ =	sdelay $0x3  }
0x96: {  	_ =	strace s3  }
0x97: {  	_ =	strace $0x8FFFFFFF  }
0x98: {  	s19 =	sld [smem:$0x3FDB];
	_ =	sdelay $0x1  }
0x99: {  	s4 =	simm.s32 $_scs_section_size  }
0x9a: {  	s5 =	simm.s32 $_size__tile_overlayer_lowered;
	s6 =	simm.s32 $_tile_overlayer_lowered  }
0x9b: {  	s22 =	simm.s32 $0x1BFF;
	s21 =	sshll.u32 s6, $0x1;
	s3 =	sadd.s32 s4, s19  }
0x9c: {  	s7 =	simm.s32 $0x0;
	s20 =	sshll.u32 s5, $0x1;
	s5 =	sadd.s32 s21, s3  }
0x9d: {  	[timem:s7], [sflag:s22] =	dma.local [hbm:s5], s20  }
0x9e: {  	_ =	swait.ge [sflag:s22], s20  }
0x9f: {  	s4 =	ssub.s32 $0x0, s20;
	[sflag:s22] =	ssyncset.done $0x0  }
0xa0: {  	[sflag:s22] =	ssyncadd.s32 s4;
	_ =	sdelay $0x1  }
0xa1: {  	s23 =	simm.s32 $0x1B8B  }
0xa2: {  	_ =	swait.ge [sflag:s23], $0x1  }
0xa3: {  	[sflag:s23] =	ssyncset.done $0x0  }
0xa4: {  	s25 =	simm.s32 $0x1B8E;
	s24 =	sld [smem:$0x3FFE];
	[sflag:s23] =	ssyncadd.s32 $0xFFFFFFFF  }
0xa5: {  	s26 =	simm.s32 $execute0_lowered;
	[smem:$0x3FD2] =	sst s25  }
0xa6: {  	s5 =	sshll.u32 s26, $0x1;
	_ =	strace $0x80000049;
	[dreg:$0x1] =	wrdreg $0xFFFFFFFF  }
0xa7: {  	s28 =	simm.s32 $_size_execute0_lowered;
	s3 =	sadd.s32 s3, s5;
	[dreg:$0x0] =	wrdreg $0x0  }
0xa8: {  	s5 =	sshll.u32 s28, $0x1;
	[dreg:$0x2] =	wrdreg s3  }
0xa9: {  	[dreg:$0x3] =	wrdreg s5  }
0xaa: {  	[dreg:$0x4] =	wrdreg $0xC0  }
0xab: {  	_ =	task [dreg:s7], $0x5FFFF  }
0xac: {  	[dreg:$0x1] =	wrdreg $0xFFFFFFFF  }
0xad: {  	[dreg:$0x0] =	wrdreg $0x60  }
0xae: {  	[dreg:$0x2] =	wrdreg s24  }
0xaf: {  	[dreg:$0x3] =	wrdreg s2  }
0xb0: {  	[dreg:$0x4] =	wrdreg $0x9  }
0xb1: {  	_ =	task.clear_ibuf [dreg:s7], $0x5FFFF;
	_ =	strace $0x90000049  }
0xb2: {  	s29 =	simm.s32 $0x9;
	_ =	strace $0x8000004B  }
0xb3: {  	_ =	swait.ge [sflag:s29], $0x1  }
0xb4: {  	[sflag:s29] =	ssyncadd.s32 $0xFFFFFFFF  }
0xb5: {  	_ =	strace $0x9000004B  }
0xb6: {  	_ =	sfence  }
0xb7: {  	s30 =	sld [smem:$0x0];
	_ =	sdelay $0x2  }
0xb8: {  	s31 =	sshll.u32 s1, $0xD;
	s1 =	sshrl.u32 s1, $0x2  }
0xb9: {  	s3 =	sand.u32 $0x4000, s31;
	s1 =	sadd.s32 s1, s30  }
0xba: {  	s0 =	sor.u32 s3, s0;
	s1 =	sshll.u32 s1, $0x11  }
0xbb: {  	s0 =	sor.u32 s1, s0  }
0xbc: {  	s0 =	sadd.s32 $0x8F2B, s0  }
0xbd: {  	[sflag:s0] =	ssyncadd.remote.s32 $0x1  }
0xbe: {  	_ =	sfence.sel $0xFFFF  }
0xbf: {  	[dreg:$0x0] =	wrdreg $0xFFFFFFFF;
	(pc) =	sbr.abs _section_cstart, $3  }
0xc0: {  	[dreg:$0x1] =	wrdreg $0xFFFFFFFF  }
0xc1: {  	_ =	task.clear_ibuf [dreg:s7], $0x2FFFF;
	_ =	strace $0x9FFFFFFF  }
0xc2: {  	(tm) =	ssettm $0x7FFFFFFF  }
0xc3: {  	_ =	shalt  }
tec
execute0_lowered:
.L_overlay_start_1:
0x0: {  	(tag) =	ssettag $0x1  }
0x1: {  	s0 =	rddreg [dreg:$0x0]  }
0x2: {  	s1 =	simm.s32 $0x0;
	s30 =	srdreg.scid;
	s3 =	stileid.u32  }
0x3: {  	s12 =	simm.s32 $0x2;
	s14 =	simm.s32 $0xA980;
	s15 =	simm.s32 $0xB380  }
0x4: {  	s16 =	simm.s32 $0x50;
	s17 =	simm.s32 $0x180;
	s18 =	simm.s32 $0x2980  }
0x5: {  	s19 =	simm.s32 $0xA0;
	s20 =	simm.s32 $0x5180;
	s21 =	simm.s32 $0xF0  }
0x6: {  	s22 =	simm.s32 $0x7980;
	s23 =	simm.s32 $0x1;
	s24 =	simm.s32 $0xBD80  }
0x7: {  	[smem:$0x7FF] =	sst s1;
	s4 =	sadd.s32 $0x2600, s0;
	s1 =	sand.u32 $0x1, s30  }
0x8: {  	s5 =	sadd.s32 $0x102600, s0;
	s6 =	sadd.s32 $0x116600, s0;
	s2 =	ssub.s32 $0x2, s1  }
0x9: {  	s7 =	sadd.s32 $0x1B6600, s0;
	s3 =	sshll.u32 s3, $0x1;
	s31 =	sshrl.u32 s2, $0x1  }
0xa: {  	s8 =	sadd.s32 $0x256600, s0;
	s1 =	sor.u32 s1, s3;
	s0 =	ssub.s32 s2, s31  }
0xb: {  	_ =	strace $0x8000004A;
	s9 =	smul.u32 $0x5000, s1;
	s0 =	smax.u32 s0, $0x1  }
0xc: {  	s10 =	sshll.u32 s1, $0xB;
	s1 =	simm.s32 $0x0;
	[dreg:$0x3] =	wrdreg s0  }
.LBB2_1:
0xd: {  	[dreg:$0x4] =	wrdreg s1;
	s26 =	simm.s32 $0x0  }
.LBB2_2:
0xe: {  	s0 =	smul.u32 $0x140, s26;
	_ =	sdelay $0x1  }
0xf: {  	s0 =	sadd.s32 s9, s0  }
0x10: {  	s0 =	sshrl.u32 s0, $0x3  }
0x11: {  	s2 =	simm.s32 $0x0;
	s0 =	sadd.s32 s5, s0  }
0x12: {  	[tilespmem:s2], [sflag:$0x2] =	stream.linear.gather [hbm4b:s0+s2], $0x140, $0x38;
	[tilespmem:$0xEF80] =	vst v63  }
0x13: {  	_ =	swait.ge [sflag:s12], $0x140  }
0x14: {  	s1 =	sshll.u32 s26, $0x5;
	[sflag:s12] =	ssyncset.done $0x0  }
0x15: {  	s28 =	sadd.s32 s10, s1;
	[sflag:s12] =	ssyncadd.s32 $0xFFFFFEC0  }
0x16: {  	s0 =	sshll.u32 s28, $0x3;
	s1 =	rddreg [dreg:$0x1]  }
0x17: {  	s3 =	simm.s32 $0xA180;
	s0 =	sadd.s32 s1, s0  }
0x18: {  	[tilespmem:s3], [sflag:$0x2] =	stream.linear.gather [hbm4b:s0+s2], $0x800, $0x38;
	[tilespmem:$0xEF80] =	vst v63  }
0x19: {  	s11 =	smul.u32 $0xA, s28;
	_ =	swait.ge [sflag:s12], $0x800  }
0x1a: {  	[sflag:s12] =	ssyncset.done $0x0  }
0x1b: {  	s13 =	sadd.s32 s6, s11;
	[sflag:s12] =	ssyncadd.s32 $0xFFFFF800  }
0x1c: {  	[tilespmem:s14], [sflag:$0x2] =	stream.linear.gather [hbm4b:s13+s2], $0xA00, $0x38;
	[tilespmem:$0xEF80] =	vst v63  }
0x1d: {  	_ =	swait.ge [sflag:s12], $0xA00  }
0x1e: {  	[sflag:s12] =	ssyncset.done $0x0  }
0x1f: {  	s0 =	sadd.s32 s7, s11;
	[sflag:s12] =	ssyncadd.s32 $0xFFFFF600  }
0x20: {  	[tilespmem:s15], [sflag:$0x2] =	stream.linear.gather [hbm4b:s0+s2], $0xA00, $0x38;
	[tilespmem:$0xEF80] =	vst v63  }
0x21: {  	_ =	swait.ge [sflag:s12], $0xA00  }
0x22: {  	[sflag:s12] =	ssyncset.done $0x0  }
0x23: {  	[sflag:s12] =	ssyncadd.s32 $0xFFFFF600  }
0x24: {  	[tilespmem:s17], [sflag:$0x1] =	stream.indirect.gather [hbm4b:s4+s16], $0x80, s2, s16, $0xb8;
	[tilespmem:$0xEF80] =	vst v63  }
0x25: {  	_ = 	snop  }
0x26: {  	[tilespmem:s18], [sflag:$0x1] =	stream.indirect.gather [hbm4b:s4+s16], $0x80, s16, s16, $0xb8;
	[tilespmem:$0xEF80] =	vst v63  }
0x27: {  	_ = 	snop  }
0x28: {  	[tilespmem:s20], [sflag:$0x1] =	stream.indirect.gather [hbm4b:s4+s16], $0x80, s19, s16, $0xb8;
	[tilespmem:$0xEF80] =	vst v63  }
0x29: {  	_ = 	snop  }
0x2a: {  	[tilespmem:s22], [sflag:$0x1] =	stream.indirect.gather [hbm4b:s4+s16], $0x80, s21, s16, $0xb8;
	[tilespmem:$0xEF80] =	vst v63  }
0x2b: {  	_ =	swait.ge [sflag:s23], $0x2800  }
0x2c: {  	[sflag:s23] =	ssyncset.done $0x0  }
0x2d: {  	[sflag:s23] =	ssyncadd.s32 $0xFFFFD800  }
0x2e: {  	_ =	swait.ge [sflag:s23], $0x2800  }
0x2f: {  	[sflag:s23] =	ssyncset.done $0x0  }
0x30: {  	[sflag:s23] =	ssyncadd.s32 $0xFFFFD800  }
0x31: {  	_ =	swait.ge [sflag:s23], $0x2800  }
0x32: {  	[sflag:s23] =	ssyncset.done $0x0  }
0x33: {  	[sflag:s23] =	ssyncadd.s32 $0xFFFFD800  }
0x34: {  	_ =	swait.ge [sflag:s23], $0x2800  }
0x35: {  	[sflag:s23] =	ssyncset.done $0x0  }
0x36: {  	s29 =	simm.s32 $0x400;
	[sflag:s23] =	ssyncadd.s32 $0xFFFFD800  }
0x37: {  	v4 =	vld [tilespmem:s29+$0xFFFFFE00]  }
0x38: {  	v2 =	vld [tilespmem:s29+$0xFFFFFE20]  }
0x39: {  	v3 =	vld [tilespmem:s29+$0xFFFFFE30]  }
0x3a: {  	v5 =	vld [tilespmem:s29+$0xFFFFFDB0]  }
0x3b: {  	v6 =	vld [tilespmem:s29+$0xFFFFFE10]  }
0x3c: {  	s30 =	simm.s32 $0xB3A0;
	v7 =	vld [tilespmem:s29+$0xFFFFFD90]  }
0x3d: {  	s25 =	simm.s32 $0xA9A0;
	v8 =	vld [tilespmem:s30+$0xFFFFFFE0]  }
0x3e: {  	v9 =	vld [tilespmem:s25+$0xFFFFFFE0]  }
0x3f: {  	v10 =	vld [tilespmem:s29+$0xFFFFFDA0]  }
0x40: {  	s31 =	simm.s32 $0xA1A0;
	v11 =	vld [tilespmem:s29+$0xFFFFFD80]  }
0x41: {  	v0 =	vld [tilespmem:s31+$0x10]  }
0x42: {  	v1 =	vld [tilespmem:s31+$0xFFFFFFF0];
	v6 =	vmul.f32 v6, v8;
	v12 =	vmul.f32 v2, v8  }
0x43: {  	v2 =	vld [tilespmem:s31+$0x0];
	v7 =	vmul.f32 v7, v9;
	v13 =	vmul.f32 v3, v8  }
0x44: {  	v3 =	vld [tilespmem:s31+$0xFFFFFFE0];
	v10 =	vmul.f32 v10, v9;
	v5 =	vmul.f32 v5, v9  }
0x45: {  	v11 =	vmul.f32 v11, v9;
	v4 =	vmul.f32 v4, v8  }
0x46: {  	v6 =	vadd.f32 v6, v7;
	v5 =	vadd.f32 v13, v5  }
0x47: {  	v7 =	vadd.f32 v12, v10;
	v4 =	vadd.f32 v4, v11  }
0x48: {  	v6 =	vmul.f32 v6, v1;
	v5 =	vmul.f32 v5, v0  }
0x49: {  	v7 =	vmul.f32 v7, v2;
	v4 =	vmul.f32 v4, v3;
	_ =	sdelay $0x1  }
0x4a: {  	v4 =	vadd.f32 v6, v4;
	v5 =	vadd.f32 v5, v7;
	_ =	sdelay $0x1  }
0x4b: {  	v4 =	vadd.f32 v5, v4  }
0x4c: {  	s0 =	simm.s32 $0xBE40  }
0x4d: {  	[tilespmem:s0+$0xFFFFFF40] =	vst v4  }
0x4e: {  	v4 =	vld [tilespmem:s29+$0xFFFFFDC0]  }
0x4f: {  	v5 =	vld [tilespmem:s29+$0xFFFFFE40];
	_ =	sdelay $0x4  }
0x50: {  	v4 =	vmul.f32 v4, v9;
	v5 =	vmul.f32 v5, v8;
	_ =	sdelay $0x1  }
0x51: {  	v4 =	vadd.f32 v5, v4;
	_ =	sdelay $0x1  }
0x52: {  	[tilespmem:s0+$0xFFFFFF90] =	vst v4  }
0x53: {  	v4 =	vld [tilespmem:s29+$0xFFFFFDD0]  }
0x54: {  	v5 =	vld [tilespmem:s29+$0xFFFFFE50];
	_ =	sdelay $0x4  }
0x55: {  	v4 =	vmul.f32 v4, v9;
	v5 =	vmul.f32 v5, v8;
	_ =	sdelay $0x1  }
0x56: {  	v4 =	vadd.f32 v5, v4;
	_ =	sdelay $0x1  }
0x57: {  	[tilespmem:s0+$0xFFFFFFA0] =	vst v4  }
0x58: {  	v4 =	vld [tilespmem:s29+$0xFFFFFDE0]  }
0x59: {  	v5 =	vld [tilespmem:s29+$0xFFFFFE60];
	_ =	sdelay $0x4  }
0x5a: {  	v4 =	vmul.f32 v4, v9;
	v5 =	vmul.f32 v5, v8;
	_ =	sdelay $0x1  }
0x5b: {  	v4 =	vadd.f32 v5, v4;
	_ =	sdelay $0x1  }
0x5c: {  	[tilespmem:s0+$0xFFFFFFB0] =	vst v4  }
0x5d: {  	v4 =	vld [tilespmem:s29+$0xFFFFFDF0]  }
0x5e: {  	v5 =	vld [tilespmem:s29+$0xFFFFFE70];
	_ =	sdelay $0x4  }
0x5f: {  	v4 =	vmul.f32 v4, v9;
	v5 =	vmul.f32 v5, v8;
	_ =	sdelay $0x1  }
0x60: {  	v4 =	vadd.f32 v5, v4  }
0x61: {  	s3 =	sand.u32 $0x3FF0, s2  }
0x62: {  	[tilespmem:s3+$0xBE00] =	vst v4  }
0x63: {  	v4 =	vld [tilespmem:s29+$0xFFFFFF00]  }
0x64: {  	v5 =	vld [tilespmem:s29+$0xFFFFFF20]  }
0x65: {  	v6 =	vld [tilespmem:s29+$0xFFFFFF10]  }
0x66: {  	v7 =	vld [tilespmem:s29+$0xFFFFFE80]  }
0x67: {  	v8 =	vld [tilespmem:s29+$0xFFFFFE90]  }
0x68: {  	v9 =	vld [tilespmem:s29+$0xFFFFFEA0]  }
0x69: {  	v10 =	vld [tilespmem:s25+$0xFFFFFFF0]  }
0x6a: {  	v11 =	vld [tilespmem:s30+$0xFFFFFFF0]  }
0x6b: {  	v12 =	vld [tilespmem:s29+$0xFFFFFF30]  }
0x6c: {  	v13 =	vld [tilespmem:s29+$0xFFFFFEB0];
	_ =	sdelay $0x1  }
0x6d: {  	v7 =	vmul.f32 v7, v10;
	v8 =	vmul.f32 v8, v10  }
0x6e: {  	v4 =	vmul.f32 v4, v11;
	v9 =	vmul.f32 v9, v10  }
0x6f: {  	v6 =	vmul.f32 v6, v11;
	v5 =	vmul.f32 v5, v11  }
0x70: {  	v13 =	vmul.f32 v13, v10;
	v12 =	vmul.f32 v12, v11  }
0x71: {  	v4 =	vadd.f32 v4, v7;
	v6 =	vadd.f32 v6, v8  }
0x72: {  	v5 =	vadd.f32 v5, v9;
	v7 =	vadd.f32 v12, v13  }
0x73: {  	v4 =	vmul.f32 v4, v3;
	v6 =	vmul.f32 v6, v1  }
0x74: {  	v5 =	vmul.f32 v5, v2;
	v7 =	vmul.f32 v7, v0;
	_ =	sdelay $0x1  }
0x75: {  	v4 =	vadd.f32 v6, v4;
	v5 =	vadd.f32 v7, v5;
	_ =	sdelay $0x1  }
0x76: {  	v4 =	vadd.f32 v5, v4;
	_ =	sdelay $0x1  }
0x77: {  	[tilespmem:s0+$0xFFFFFF50] =	vst v4  }
0x78: {  	v4 =	vld [tilespmem:s29+$0xFFFFFEC0]  }
0x79: {  	v5 =	vld [tilespmem:s29+$0xFFFFFF40];
	_ =	sdelay $0x4  }
0x7a: {  	v4 =	vmul.f32 v4, v10;
	v5 =	vmul.f32 v5, v11;
	_ =	sdelay $0x1  }
0x7b: {  	v4 =	vadd.f32 v5, v4;
	_ =	sdelay $0x1  }
0x7c: {  	[tilespmem:s0+$0xFFFFFFD0] =	vst v4  }
0x7d: {  	v4 =	vld [tilespmem:s29+$0xFFFFFF50]  }
0x7e: {  	v5 =	vld [tilespmem:s29+$0xFFFFFED0];
	_ =	sdelay $0x4  }
0x7f: {  	v4 =	vmul.f32 v4, v11;
	v5 =	vmul.f32 v5, v10;
	_ =	sdelay $0x1  }
0x80: {  	v4 =	vadd.f32 v4, v5;
	_ =	sdelay $0x1  }
0x81: {  	[tilespmem:s0+$0xFFFFFFE0] =	vst v4  }
0x82: {  	v4 =	vld [tilespmem:s29+$0xFFFFFEE0]  }
0x83: {  	v5 =	vld [tilespmem:s29+$0xFFFFFF60];
	_ =	sdelay $0x4  }
0x84: {  	v4 =	vmul.f32 v4, v10;
	v5 =	vmul.f32 v5, v11;
	_ =	sdelay $0x1  }
0x85: {  	v4 =	vadd.f32 v5, v4;
	_ =	sdelay $0x1  }
0x86: {  	[tilespmem:s0+$0xFFFFFFF0] =	vst v4  }
0x87: {  	v4 =	vld [tilespmem:s29+$0xFFFFFEF0]  }
0x88: {  	v5 =	vld [tilespmem:s29+$0xFFFFFF70];
	_ =	sdelay $0x4  }
0x89: {  	v4 =	vmul.f32 v4, v10;
	v5 =	vmul.f32 v5, v11;
	_ =	sdelay $0x1  }
0x8a: {  	v4 =	vadd.f32 v5, v4;
	_ =	sdelay $0x1  }
0x8b: {  	[tilespmem:s0+$0x0] =	vst v4  }
0x8c: {  	v4 =	vld [tilespmem:s29+$0x20]  }
0x8d: {  	v5 =	vld [tilespmem:s29+$0x30]  }
0x8e: {  	v6 =	vld [tilespmem:s29+$0x10]  }
0x8f: {  	v7 =	vld [tilespmem:s29+$0xFFFFFFA0]  }
0x90: {  	v8 =	vld [tilespmem:s29+$0x0]  }
0x91: {  	v9 =	vld [tilespmem:s30+$0x0]  }
0x92: {  	v10 =	vld [tilespmem:s29+$0xFFFFFF80]  }
0x93: {  	v11 =	vld [tilespmem:s25+$0x0]  }
0x94: {  	v12 =	vld [tilespmem:s29+$0xFFFFFF90]  }
0x95: {  	v13 =	vld [tilespmem:s29+$0xFFFFFFB0];
	_ =	sdelay $0x1  }
0x96: {  	v8 =	vmul.f32 v8, v9;
	v6 =	vmul.f32 v6, v9  }
0x97: {  	v5 =	vmul.f32 v5, v9;
	v7 =	vmul.f32 v7, v11  }
0x98: {  	v4 =	vmul.f32 v4, v9;
	v10 =	vmul.f32 v10, v11  }
0x99: {  	v12 =	vmul.f32 v12, v11;
	v13 =	vmul.f32 v13, v11  }
0x9a: {  	v8 =	vadd.f32 v8, v10;
	v4 =	vadd.f32 v4, v7  }
0x9b: {  	v6 =	vadd.f32 v6, v12;
	v5 =	vadd.f32 v5, v13  }
0x9c: {  	v7 =	vmul.f32 v8, v3;
	v4 =	vmul.f32 v4, v2  }
0x9d: {  	v6 =	vmul.f32 v6, v1;
	v5 =	vmul.f32 v5, v0;
	_ =	sdelay $0x1  }
0x9e: {  	v6 =	vadd.f32 v6, v7;
	v4 =	vadd.f32 v5, v4;
	_ =	sdelay $0x1  }
0x9f: {  	v4 =	vadd.f32 v4, v6;
	_ =	sdelay $0x1  }
0xa0: {  	[tilespmem:s0+$0xFFFFFF60] =	vst v4  }
0xa1: {  	v4 =	vld [tilespmem:s29+$0xFFFFFFC0]  }
0xa2: {  	v5 =	vld [tilespmem:s29+$0x40];
	_ =	sdelay $0x4  }
0xa3: {  	v4 =	vmul.f32 v4, v11;
	v5 =	vmul.f32 v5, v9;
	_ =	sdelay $0x1  }
0xa4: {  	v4 =	vadd.f32 v5, v4;
	_ =	sdelay $0x1  }
0xa5: {  	[tilespmem:s0+$0x10] =	vst v4  }
0xa6: {  	v4 =	vld [tilespmem:s29+$0xFFFFFFD0]  }
0xa7: {  	v5 =	vld [tilespmem:s29+$0x50];
	_ =	sdelay $0x4  }
0xa8: {  	v4 =	vmul.f32 v4, v11;
	v5 =	vmul.f32 v5, v9;
	_ =	sdelay $0x1  }
0xa9: {  	v4 =	vadd.f32 v5, v4;
	_ =	sdelay $0x1  }
0xaa: {  	[tilespmem:s0+$0x20] =	vst v4  }
0xab: {  	v4 =	vld [tilespmem:s29+$0x60]  }
0xac: {  	v5 =	vld [tilespmem:s29+$0xFFFFFFE0];
	_ =	sdelay $0x4  }
0xad: {  	v4 =	vmul.f32 v4, v9;
	v5 =	vmul.f32 v5, v11;
	_ =	sdelay $0x1  }
0xae: {  	v4 =	vadd.f32 v4, v5;
	_ =	sdelay $0x1  }
0xaf: {  	[tilespmem:s0+$0x30] =	vst v4  }
0xb0: {  	v4 =	vld [tilespmem:s29+$0xFFFFFFF0]  }
0xb1: {  	v5 =	vld [tilespmem:s29+$0x70];
	_ =	sdelay $0x4  }
0xb2: {  	v4 =	vmul.f32 v4, v11;
	v5 =	vmul.f32 v5, v9;
	_ =	sdelay $0x1  }
0xb3: {  	v4 =	vadd.f32 v5, v4;
	_ =	sdelay $0x1  }
0xb4: {  	[tilespmem:s3+$0xBE80] =	vst v4  }
0xb5: {  	v4 =	vld [tilespmem:s29+$0xA0]  }
0xb6: {  	v5 =	vld [tilespmem:s29+$0xB0]  }
0xb7: {  	v6 =	vld [tilespmem:s29+$0x80]  }
0xb8: {  	v7 =	vld [tilespmem:s29+$0x130]  }
0xb9: {  	v8 =	vld [tilespmem:s29+$0x100]  }
0xba: {  	v9 =	vld [tilespmem:s29+$0x110]  }
0xbb: {  	v10 =	vld [tilespmem:s30+$0x10]  }
0xbc: {  	v11 =	vld [tilespmem:s25+$0x10]  }
0xbd: {  	v12 =	vld [tilespmem:s29+$0x120]  }
0xbe: {  	v13 =	vld [tilespmem:s29+$0x90];
	_ =	sdelay $0x1  }
0xbf: {  	v8 =	vmul.f32 v8, v10;
	v7 =	vmul.f32 v7, v10  }
0xc0: {  	v6 =	vmul.f32 v6, v11;
	v4 =	vmul.f32 v4, v11  }
0xc1: {  	v12 =	vmul.f32 v12, v10;
	v5 =	vmul.f32 v5, v11  }
0xc2: {  	v13 =	vmul.f32 v13, v11;
	v9 =	vmul.f32 v9, v10  }
0xc3: {  	v6 =	vadd.f32 v8, v6;
	v4 =	vadd.f32 v12, v4  }
0xc4: {  	v5 =	vadd.f32 v7, v5;
	v7 =	vadd.f32 v9, v13  }
0xc5: {  	v6 =	vmul.f32 v6, v3;
	v4 =	vmul.f32 v4, v2  }
0xc6: {  	v5 =	vmul.f32 v5, v0;
	v7 =	vmul.f32 v7, v1;
	_ =	sdelay $0x1  }
0xc7: {  	v4 =	vadd.f32 v5, v4;
	v5 =	vadd.f32 v7, v6;
	_ =	sdelay $0x1  }
0xc8: {  	v4 =	vadd.f32 v4, v5;
	_ =	sdelay $0x1  }
0xc9: {  	[tilespmem:s0+$0xFFFFFF70] =	vst v4  }
0xca: {  	v4 =	vld [tilespmem:s29+$0xC0]  }
0xcb: {  	v5 =	vld [tilespmem:s29+$0x140];
	_ =	sdelay $0x4  }
0xcc: {  	v4 =	vmul.f32 v4, v11;
	v5 =	vmul.f32 v5, v10;
	_ =	sdelay $0x1  }
0xcd: {  	v4 =	vadd.f32 v5, v4;
	_ =	sdelay $0x1  }
0xce: {  	[tilespmem:s0+$0x50] =	vst v4  }
0xcf: {  	v4 =	vld [tilespmem:s29+$0xD0]  }
0xd0: {  	v5 =	vld [tilespmem:s29+$0x150];
	_ =	sdelay $0x4  }
0xd1: {  	v4 =	vmul.f32 v4, v11;
	v5 =	vmul.f32 v5, v10;
	_ =	sdelay $0x1  }
0xd2: {  	v4 =	vadd.f32 v5, v4;
	_ =	sdelay $0x1  }
0xd3: {  	[tilespmem:s0+$0x60] =	vst v4  }
0xd4: {  	v4 =	vld [tilespmem:s29+$0x160]  }
0xd5: {  	v5 =	vld [tilespmem:s29+$0xE0];
	_ =	sdelay $0x4  }
0xd6: {  	v4 =	vmul.f32 v4, v10;
	v5 =	vmul.f32 v5, v11;
	_ =	sdelay $0x1  }
0xd7: {  	v4 =	vadd.f32 v4, v5;
	_ =	sdelay $0x1  }
0xd8: {  	[tilespmem:s0+$0x70] =	vst v4  }
0xd9: {  	v4 =	vld [tilespmem:s29+$0xF0]  }
0xda: {  	v5 =	vld [tilespmem:s29+$0x170];
	_ =	sdelay $0x4  }
0xdb: {  	v4 =	vmul.f32 v4, v11;
	v5 =	vmul.f32 v5, v10;
	_ =	sdelay $0x1  }
0xdc: {  	v4 =	vadd.f32 v5, v4;
	_ =	sdelay $0x1  }
0xdd: {  	[tilespmem:s0+$0x80] =	vst v4  }
0xde: {  	v8 =	vld [tilespmem:s29+$0x230]  }
0xdf: {  	v6 =	vld [tilespmem:s29+$0x1A0]  }
0xe0: {  	v9 =	vld [tilespmem:s29+$0x180]  }
0xe1: {  	v7 =	vld [tilespmem:s29+$0x200]  }
0xe2: {  	v10 =	vld [tilespmem:s29+$0x210]  }
0xe3: {  	v4 =	vld [tilespmem:s30+$0x20]  }
0xe4: {  	v5 =	vld [tilespmem:s25+$0x20]  }
0xe5: {  	s1 =	simm.s32 $0xA9F0;
	v11 =	vld [tilespmem:s29+$0x1B0]  }
0xe6: {  	s11 =	simm.s32 $0xBE40;
	s2 =	simm.s32 $0x900;
	s25 =	simm.s32 $0x190;
	v12 =	vld [tilespmem:s29+$0x220]  }
.LBB2_3:
0xe7: {  	v13 =	vld [tilespmem:s29+$0x190];
	s31 =	sadd.s32 $0x40, s31;
	s0 =	sadd.s32 $0x190, s0;
	s30 =	sadd.s32 $0x50, s30  }
0xe8: {  	p0 =	sne.s32 s25, $0x3070;
	s13 =	smov.u32 s25;
	s25 =	sadd.s32 $0x190, s25;
	v8 =	vmul.f32 v8, v4  }
0xe9: {  	v10 =	vmul.f32 v10, v4;
	v9 =	vmul.f32 v9, v5  }
0xea: {  	v7 =	vmul.f32 v7, v4;
	v11 =	vmul.f32 v11, v5  }
0xeb: {  	v6 =	vmul.f32 v6, v5;
	v12 =	vmul.f32 v12, v4  }
0xec: {  	v7 =	vadd.f32 v7, v9;
	v9 =	vmul.f32 v13, v5  }
0xed: {  	v8 =	vadd.f32 v8, v11;
	v6 =	vadd.f32 v12, v6  }
0xee: {  	v3 =	vmul.f32 v7, v3;
	v7 =	vadd.f32 v10, v9  }
0xef: {  	v0 =	vmul.f32 v8, v0;
	v2 =	vmul.f32 v6, v2  }
0xf0: {  	v1 =	vmul.f32 v7, v1  }
0xf1: {  	v0 =	vadd.f32 v0, v2  }
0xf2: {  	v1 =	vadd.f32 v1, v3;
	_ =	sdelay $0x1  }
0xf3: {  	v0 =	vadd.f32 v0, v1;
	_ =	sdelay $0x1  }
0xf4: {  	[tilespmem:s11+$0xFFFFFF80] =	vst v0  }
0xf5: {  	v0 =	vld [tilespmem:s29+$0x1C0]  }
0xf6: {  	v1 =	vld [tilespmem:s29+$0x240];
	_ =	sdelay $0x3  }
0xf7: {  	v0 =	vmul.f32 v0, v5  }
0xf8: {  	v1 =	vmul.f32 v1, v4;
	_ =	sdelay $0x1  }
0xf9: {  	v0 =	vadd.f32 v1, v0;
	_ =	sdelay $0x1  }
0xfa: {  	[tilespmem:s11+$0x90] =	vst v0  }
0xfb: {  	v0 =	vld [tilespmem:s29+$0x1D0]  }
0xfc: {  	v1 =	vld [tilespmem:s29+$0x250];
	_ =	sdelay $0x3  }
0xfd: {  	v0 =	vmul.f32 v0, v5  }
0xfe: {  	v1 =	vmul.f32 v1, v4;
	_ =	sdelay $0x1  }
0xff: {  	v0 =	vadd.f32 v1, v0;
	_ =	sdelay $0x1  }
0x100: {  	[tilespmem:s11+$0xA0] =	vst v0  }
0x101: {  	v0 =	vld [tilespmem:s29+$0x1E0]  }
0x102: {  	v1 =	vld [tilespmem:s29+$0x260];
	_ =	sdelay $0x3  }
0x103: {  	v0 =	vmul.f32 v0, v5  }
0x104: {  	v1 =	vmul.f32 v1, v4;
	_ =	sdelay $0x1  }
0x105: {  	v0 =	vadd.f32 v1, v0;
	_ =	sdelay $0x1  }
0x106: {  	[tilespmem:s11+$0xB0] =	vst v0;
	s11 =	smov.u32 s0  }
0x107: {  	v0 =	vld [tilespmem:s29+$0x1F0]  }
0x108: {  	v1 =	vld [tilespmem:s29+$0x270];
	s29 =	smov.u32 s2;
	_ =	sdelay $0x3  }
0x109: {  	v0 =	vmul.f32 v0, v5  }
0x10a: {  	v1 =	vmul.f32 v1, v4;
	_ =	sdelay $0x1  }
0x10b: {  	v0 =	vadd.f32 v1, v0;
	_ =	sdelay $0x1  }
0x10c: {  	[tilespmem:s3+$0xBF00] =	vst v0  }
0x10d: {  	v4 =	vld [tilespmem:s2+$0xFFFFFE00]  }
0x10e: {  	v2 =	vld [tilespmem:s2+$0xFFFFFE20]  }
0x10f: {  	v3 =	vld [tilespmem:s2+$0xFFFFFE30]  }
0x110: {  	v5 =	vld [tilespmem:s2+$0xFFFFFDB0]  }
0x111: {  	v6 =	vld [tilespmem:s2+$0xFFFFFE10]  }
0x112: {  	v7 =	vld [tilespmem:s2+$0xFFFFFD90]  }
0x113: {  	v8 =	vld [tilespmem:s30+$0xFFFFFFE0]  }
0x114: {  	v9 =	vld [tilespmem:s1+$0xFFFFFFE0]  }
0x115: {  	v10 =	vld [tilespmem:s2+$0xFFFFFDA0]  }
0x116: {  	v11 =	vld [tilespmem:s2+$0xFFFFFD80]  }
0x117: {  	v0 =	vld [tilespmem:s31+$0x10]  }
0x118: {  	v1 =	vld [tilespmem:s31+$0xFFFFFFF0];
	v6 =	vmul.f32 v6, v8;
	v12 =	vmul.f32 v2, v8  }
0x119: {  	v13 =	vmul.f32 v3, v8;
	v2 =	vld [tilespmem:s31+$0x0];
	v7 =	vmul.f32 v7, v9  }
0x11a: {  	v5 =	vmul.f32 v5, v9;
	v3 =	vld [tilespmem:s31+$0xFFFFFFE0];
	v10 =	vmul.f32 v10, v9  }
0x11b: {  	v4 =	vmul.f32 v4, v8;
	v11 =	vmul.f32 v11, v9;
	v6 =	vadd.f32 v6, v7  }
0x11c: {  	v5 =	vadd.f32 v13, v5;
	v7 =	vadd.f32 v12, v10  }
0x11d: {  	v4 =	vadd.f32 v4, v11;
	v6 =	vmul.f32 v6, v1  }
0x11e: {  	v7 =	vmul.f32 v7, v2  }
0x11f: {  	v5 =	vmul.f32 v5, v0;
	v4 =	vmul.f32 v4, v3;
	_ =	sdelay $0x1  }
0x120: {  	v5 =	vadd.f32 v5, v7;
	v4 =	vadd.f32 v6, v4;
	_ =	sdelay $0x1  }
0x121: {  	v4 =	vadd.f32 v5, v4;
	_ =	sdelay $0x1  }
0x122: {  	[tilespmem:s0+$0xFFFFFF40] =	vst v4  }
0x123: {  	v4 =	vld [tilespmem:s2+$0xFFFFFDC0]  }
0x124: {  	v5 =	vld [tilespmem:s2+$0xFFFFFE40];
	_ =	sdelay $0x3  }
0x125: {  	v4 =	vmul.f32 v4, v9  }
0x126: {  	v5 =	vmul.f32 v5, v8;
	_ =	sdelay $0x1  }
0x127: {  	v4 =	vadd.f32 v5, v4;
	_ =	sdelay $0x1  }
0x128: {  	[tilespmem:s0+$0xFFFFFF90] =	vst v4  }
0x129: {  	v4 =	vld [tilespmem:s2+$0xFFFFFDD0]  }
0x12a: {  	v5 =	vld [tilespmem:s2+$0xFFFFFE50];
	_ =	sdelay $0x3  }
0x12b: {  	v4 =	vmul.f32 v4, v9  }
0x12c: {  	v5 =	vmul.f32 v5, v8;
	_ =	sdelay $0x1  }
0x12d: {  	v4 =	vadd.f32 v5, v4;
	_ =	sdelay $0x1  }
0x12e: {  	[tilespmem:s0+$0xFFFFFFA0] =	vst v4  }
0x12f: {  	v4 =	vld [tilespmem:s2+$0xFFFFFDE0]  }
0x130: {  	v5 =	vld [tilespmem:s2+$0xFFFFFE60];
	_ =	sdelay $0x3  }
0x131: {  	v4 =	vmul.f32 v4, v9  }
0x132: {  	v5 =	vmul.f32 v5, v8;
	_ =	sdelay $0x1  }
0x133: {  	v4 =	vadd.f32 v5, v4;
	_ =	sdelay $0x1  }
0x134: {  	[tilespmem:s0+$0xFFFFFFB0] =	vst v4  }
0x135: {  	v4 =	vld [tilespmem:s2+$0xFFFFFDF0]  }
0x136: {  	v5 =	vld [tilespmem:s2+$0xFFFFFE70];
	_ =	sdelay $0x3  }
0x137: {  	v4 =	vmul.f32 v4, v9  }
0x138: {  	v5 =	vmul.f32 v5, v8;
	_ =	sdelay $0x1  }
0x139: {  	v4 =	vadd.f32 v5, v4  }
0x13a: {  	s3 =	sand.u32 $0x3FF0, s13  }
0x13b: {  	[tilespmem:s3+$0xBE00] =	vst v4  }
0x13c: {  	v4 =	vld [tilespmem:s2+$0xFFFFFF00]  }
0x13d: {  	v5 =	vld [tilespmem:s2+$0xFFFFFF20]  }
0x13e: {  	v6 =	vld [tilespmem:s2+$0xFFFFFF10]  }
0x13f: {  	v7 =	vld [tilespmem:s2+$0xFFFFFE80]  }
0x140: {  	v8 =	vld [tilespmem:s2+$0xFFFFFE90]  }
0x141: {  	v9 =	vld [tilespmem:s2+$0xFFFFFEA0]  }
0x142: {  	v10 =	vld [tilespmem:s1+$0xFFFFFFF0]  }
0x143: {  	v11 =	vld [tilespmem:s30+$0xFFFFFFF0]  }
0x144: {  	v12 =	vld [tilespmem:s2+$0xFFFFFF30]  }
0x145: {  	v13 =	vld [tilespmem:s2+$0xFFFFFEB0];
	_ =	sdelay $0x1  }
0x146: {  	v7 =	vmul.f32 v7, v10;
	v8 =	vmul.f32 v8, v10  }
0x147: {  	v9 =	vmul.f32 v9, v10;
	v4 =	vmul.f32 v4, v11  }
0x148: {  	v6 =	vmul.f32 v6, v11;
	v5 =	vmul.f32 v5, v11  }
0x149: {  	v4 =	vadd.f32 v4, v7;
	v7 =	vmul.f32 v13, v10  }
0x14a: {  	v6 =	vadd.f32 v6, v8;
	v5 =	vadd.f32 v5, v9;
	v8 =	vmul.f32 v12, v11  }
0x14b: {  	v4 =	vmul.f32 v4, v3  }
0x14c: {  	v6 =	vmul.f32 v6, v1;
	v5 =	vmul.f32 v5, v2;
	v7 =	vadd.f32 v8, v7;
	_ =	sdelay $0x1  }
0x14d: {  	v7 =	vmul.f32 v7, v0;
	v4 =	vadd.f32 v6, v4;
	_ =	sdelay $0x1  }
0x14e: {  	v5 =	vadd.f32 v7, v5;
	_ =	sdelay $0x1  }
0x14f: {  	v4 =	vadd.f32 v5, v4;
	_ =	sdelay $0x1  }
0x150: {  	[tilespmem:s0+$0xFFFFFF50] =	vst v4  }
0x151: {  	v4 =	vld [tilespmem:s2+$0xFFFFFEC0]  }
0x152: {  	v5 =	vld [tilespmem:s2+$0xFFFFFF40];
	_ =	sdelay $0x3  }
0x153: {  	v4 =	vmul.f32 v4, v10  }
0x154: {  	v5 =	vmul.f32 v5, v11;
	_ =	sdelay $0x1  }
0x155: {  	v4 =	vadd.f32 v5, v4;
	_ =	sdelay $0x1  }
0x156: {  	[tilespmem:s0+$0xFFFFFFD0] =	vst v4  }
0x157: {  	v4 =	vld [tilespmem:s2+$0xFFFFFF50]  }
0x158: {  	v5 =	vld [tilespmem:s2+$0xFFFFFED0];
	_ =	sdelay $0x3  }
0x159: {  	v4 =	vmul.f32 v4, v11  }
0x15a: {  	v5 =	vmul.f32 v5, v10;
	_ =	sdelay $0x1  }
0x15b: {  	v4 =	vadd.f32 v4, v5;
	_ =	sdelay $0x1  }
0x15c: {  	[tilespmem:s0+$0xFFFFFFE0] =	vst v4  }
0x15d: {  	v4 =	vld [tilespmem:s2+$0xFFFFFEE0]  }
0x15e: {  	v5 =	vld [tilespmem:s2+$0xFFFFFF60];
	_ =	sdelay $0x3  }
0x15f: {  	v4 =	vmul.f32 v4, v10  }
0x160: {  	v5 =	vmul.f32 v5, v11;
	_ =	sdelay $0x1  }
0x161: {  	v4 =	vadd.f32 v5, v4;
	_ =	sdelay $0x1  }
0x162: {  	[tilespmem:s0+$0xFFFFFFF0] =	vst v4  }
0x163: {  	v4 =	vld [tilespmem:s2+$0xFFFFFEF0]  }
0x164: {  	v5 =	vld [tilespmem:s2+$0xFFFFFF70];
	_ =	sdelay $0x3  }
0x165: {  	v4 =	vmul.f32 v4, v10  }
0x166: {  	v5 =	vmul.f32 v5, v11;
	_ =	sdelay $0x1  }
0x167: {  	v4 =	vadd.f32 v5, v4;
	_ =	sdelay $0x1  }
0x168: {  	[tilespmem:s0+$0x0] =	vst v4  }
0x169: {  	v4 =	vld [tilespmem:s2+$0x20]  }
0x16a: {  	v5 =	vld [tilespmem:s2+$0x30]  }
0x16b: {  	v6 =	vld [tilespmem:s2+$0x10]  }
0x16c: {  	v7 =	vld [tilespmem:s2+$0xFFFFFFA0]  }
0x16d: {  	v8 =	vld [tilespmem:s2+$0x0]  }
0x16e: {  	v9 =	vld [tilespmem:s30+$0x0]  }
0x16f: {  	v10 =	vld [tilespmem:s2+$0xFFFFFF80]  }
0x170: {  	v11 =	vld [tilespmem:s1+$0x0]  }
0x171: {  	v12 =	vld [tilespmem:s2+$0xFFFFFF90]  }
0x172: {  	v13 =	vld [tilespmem:s2+$0xFFFFFFB0]  }
0x173: {  	v8 =	vmul.f32 v8, v9;
	v6 =	vmul.f32 v6, v9  }
0x174: {  	v5 =	vmul.f32 v5, v9  }
0x175: {  	v4 =	vmul.f32 v4, v9;
	v7 =	vmul.f32 v7, v11  }
0x176: {  	v10 =	vmul.f32 v10, v11;
	v12 =	vmul.f32 v12, v11  }
0x177: {  	v13 =	vmul.f32 v13, v11  }
0x178: {  	v8 =	vadd.f32 v8, v10;
	v4 =	vadd.f32 v4, v7  }
0x179: {  	v6 =	vadd.f32 v6, v12;
	v5 =	vadd.f32 v5, v13  }
0x17a: {  	v7 =	vmul.f32 v8, v3;
	v4 =	vmul.f32 v4, v2  }
0x17b: {  	v6 =	vmul.f32 v6, v1;
	v5 =	vmul.f32 v5, v0;
	_ =	sdelay $0x1  }
0x17c: {  	v6 =	vadd.f32 v6, v7;
	v4 =	vadd.f32 v5, v4;
	_ =	sdelay $0x1  }
0x17d: {  	v4 =	vadd.f32 v4, v6;
	_ =	sdelay $0x1  }
0x17e: {  	[tilespmem:s0+$0xFFFFFF60] =	vst v4  }
0x17f: {  	v4 =	vld [tilespmem:s2+$0xFFFFFFC0]  }
0x180: {  	v5 =	vld [tilespmem:s2+$0x40];
	_ =	sdelay $0x3  }
0x181: {  	v4 =	vmul.f32 v4, v11  }
0x182: {  	v5 =	vmul.f32 v5, v9;
	_ =	sdelay $0x1  }
0x183: {  	v4 =	vadd.f32 v5, v4;
	_ =	sdelay $0x1  }
0x184: {  	[tilespmem:s0+$0x10] =	vst v4  }
0x185: {  	v4 =	vld [tilespmem:s2+$0xFFFFFFD0]  }
0x186: {  	v5 =	vld [tilespmem:s2+$0x50];
	_ =	sdelay $0x3  }
0x187: {  	v4 =	vmul.f32 v4, v11  }
0x188: {  	v5 =	vmul.f32 v5, v9;
	_ =	sdelay $0x1  }
0x189: {  	v4 =	vadd.f32 v5, v4;
	_ =	sdelay $0x1  }
0x18a: {  	[tilespmem:s0+$0x20] =	vst v4  }
0x18b: {  	v4 =	vld [tilespmem:s2+$0x60]  }
0x18c: {  	v5 =	vld [tilespmem:s2+$0xFFFFFFE0];
	_ =	sdelay $0x3  }
0x18d: {  	v4 =	vmul.f32 v4, v9  }
0x18e: {  	v5 =	vmul.f32 v5, v11;
	_ =	sdelay $0x1  }
0x18f: {  	v4 =	vadd.f32 v4, v5;
	_ =	sdelay $0x1  }
0x190: {  	[tilespmem:s0+$0x30] =	vst v4  }
0x191: {  	v4 =	vld [tilespmem:s2+$0xFFFFFFF0]  }
0x192: {  	v5 =	vld [tilespmem:s2+$0x70];
	_ =	sdelay $0x3  }
0x193: {  	v4 =	vmul.f32 v4, v11  }
0x194: {  	v5 =	vmul.f32 v5, v9;
	_ =	sdelay $0x1  }
0x195: {  	v4 =	vadd.f32 v5, v4;
	_ =	sdelay $0x1  }
0x196: {  	[tilespmem:s3+$0xBE80] =	vst v4  }
0x197: {  	v4 =	vld [tilespmem:s2+$0xA0]  }
0x198: {  	v5 =	vld [tilespmem:s2+$0xB0]  }
0x199: {  	v6 =	vld [tilespmem:s2+$0x80]  }
0x19a: {  	v7 =	vld [tilespmem:s2+$0x130]  }
0x19b: {  	v8 =	vld [tilespmem:s2+$0x100]  }
0x19c: {  	v9 =	vld [tilespmem:s2+$0x110]  }
0x19d: {  	v10 =	vld [tilespmem:s30+$0x10]  }
0x19e: {  	v11 =	vld [tilespmem:s1+$0x10]  }
0x19f: {  	v12 =	vld [tilespmem:s2+$0x120]  }
0x1a0: {  	v13 =	vld [tilespmem:s2+$0x90];
	_ =	sdelay $0x1  }
0x1a1: {  	v8 =	vmul.f32 v8, v10;
	v7 =	vmul.f32 v7, v10  }
0x1a2: {  	v6 =	vmul.f32 v6, v11;
	v4 =	vmul.f32 v4, v11  }
0x1a3: {  	v5 =	vmul.f32 v5, v11;
	v12 =	vmul.f32 v12, v10  }
0x1a4: {  	v9 =	vmul.f32 v9, v10;
	v6 =	vadd.f32 v8, v6;
	v8 =	vmul.f32 v13, v11  }
0x1a5: {  	v5 =	vadd.f32 v7, v5;
	v4 =	vadd.f32 v12, v4  }
0x1a6: {  	v6 =	vmul.f32 v6, v3;
	v7 =	vadd.f32 v9, v8  }
0x1a7: {  	v5 =	vmul.f32 v5, v0;
	v4 =	vmul.f32 v4, v2  }
0x1a8: {  	v7 =	vmul.f32 v7, v1  }
0x1a9: {  	v4 =	vadd.f32 v5, v4  }
0x1aa: {  	v5 =	vadd.f32 v7, v6;
	_ =	sdelay $0x1  }
0x1ab: {  	v4 =	vadd.f32 v4, v5;
	_ =	sdelay $0x1  }
0x1ac: {  	[tilespmem:s0+$0xFFFFFF70] =	vst v4  }
0x1ad: {  	v4 =	vld [tilespmem:s2+$0xC0]  }
0x1ae: {  	v5 =	vld [tilespmem:s2+$0x140];
	_ =	sdelay $0x3  }
0x1af: {  	v4 =	vmul.f32 v4, v11  }
0x1b0: {  	v5 =	vmul.f32 v5, v10;
	_ =	sdelay $0x1  }
0x1b1: {  	v4 =	vadd.f32 v5, v4;
	_ =	sdelay $0x1  }
0x1b2: {  	[tilespmem:s0+$0x50] =	vst v4  }
0x1b3: {  	v4 =	vld [tilespmem:s2+$0xD0]  }
0x1b4: {  	v5 =	vld [tilespmem:s2+$0x150];
	_ =	sdelay $0x3  }
0x1b5: {  	v4 =	vmul.f32 v4, v11  }
0x1b6: {  	v5 =	vmul.f32 v5, v10;
	_ =	sdelay $0x1  }
0x1b7: {  	v4 =	vadd.f32 v5, v4;
	_ =	sdelay $0x1  }
0x1b8: {  	[tilespmem:s0+$0x60] =	vst v4  }
0x1b9: {  	v4 =	vld [tilespmem:s2+$0x160]  }
0x1ba: {  	v5 =	vld [tilespmem:s2+$0xE0];
	_ =	sdelay $0x3  }
0x1bb: {  	v4 =	vmul.f32 v4, v10  }
0x1bc: {  	v5 =	vmul.f32 v5, v11;
	_ =	sdelay $0x1  }
0x1bd: {  	v4 =	vadd.f32 v4, v5;
	_ =	sdelay $0x1  }
0x1be: {  	[tilespmem:s0+$0x70] =	vst v4  }
0x1bf: {  	v4 =	vld [tilespmem:s2+$0xF0]  }
0x1c0: {  	v5 =	vld [tilespmem:s2+$0x170];
	_ =	sdelay $0x3  }
0x1c1: {  	v4 =	vmul.f32 v4, v11  }
0x1c2: {  	v5 =	vmul.f32 v5, v10;
	_ =	sdelay $0x1  }
0x1c3: {  	v4 =	vadd.f32 v5, v4;
	_ =	sdelay $0x1  }
0x1c4: {  	[tilespmem:s0+$0x80] =	vst v4  }
0x1c5: {  	v8 =	vld [tilespmem:s2+$0x230]  }
0x1c6: {  	v6 =	vld [tilespmem:s2+$0x1A0]  }
0x1c7: {  	v9 =	vld [tilespmem:s2+$0x180]  }
0x1c8: {  	v7 =	vld [tilespmem:s2+$0x200]  }
.Ltmp0:
0x1c9: {  	v10 =	vld [tilespmem:s2+$0x210];
	(pc) =	sbr.rel @p0 .LBB2_3-.Ltmp0, $4  }
0x1ca: {  	v4 =	vld [tilespmem:s30+$0x20]  }
0x1cb: {  	v5 =	vld [tilespmem:s1+$0x20]  }
0x1cc: {  	v11 =	vld [tilespmem:s2+$0x1B0]  }
0x1cd: {  	s1 =	sadd.s32 $0x50, s1;
	s2 =	sadd.s32 $0x500, s2;
	v12 =	vld [tilespmem:s29+$0x220]  }
0x1ce: {  	v13 =	vld [tilespmem:s29+$0x190];
	_ =	sdelay $0x1  }
0x1cf: {  	v8 =	vmul.f32 v8, v4;
	v10 =	vmul.f32 v10, v4  }
0x1d0: {  	v7 =	vmul.f32 v7, v4;
	v9 =	vmul.f32 v9, v5  }
0x1d1: {  	v6 =	vmul.f32 v6, v5;
	v11 =	vmul.f32 v11, v5  }
0x1d2: {  	v12 =	vmul.f32 v12, v4;
	v13 =	vmul.f32 v13, v5  }
0x1d3: {  	v7 =	vadd.f32 v7, v9;
	v8 =	vadd.f32 v8, v11  }
0x1d4: {  	v6 =	vadd.f32 v12, v6;
	v59 =	vadd.f32 v10, v13  }
0x1d5: {  	v3 =	vmul.f32 v7, v3;
	v0 =	vmul.f32 v8, v0  }
0x1d6: {  	v2 =	vmul.f32 v6, v2;
	v1 =	vmul.f32 v59, v1;
	_ =	sdelay $0x1  }
0x1d7: {  	v0 =	vadd.f32 v0, v2;
	v1 =	vadd.f32 v1, v3;
	_ =	sdelay $0x1  }
0x1d8: {  	v0 =	vadd.f32 v0, v1;
	_ =	sdelay $0x1  }
0x1d9: {  	[tilespmem:s11+$0xFFFFFF80] =	vst v0  }
0x1da: {  	v0 =	vld [tilespmem:s29+$0x1C0]  }
0x1db: {  	v60 =	vld [tilespmem:s29+$0x240];
	_ =	sdelay $0x4  }
0x1dc: {  	v0 =	vmul.f32 v0, v5;
	v1 =	vmul.f32 v60, v4;
	_ =	sdelay $0x1  }
0x1dd: {  	v0 =	vadd.f32 v1, v0;
	_ =	sdelay $0x1  }
0x1de: {  	[tilespmem:s11+$0x90] =	vst v0  }
0x1df: {  	v0 =	vld [tilespmem:s29+$0x1D0]  }
0x1e0: {  	v61 =	vld [tilespmem:s29+$0x250];
	_ =	sdelay $0x4  }
0x1e1: {  	v0 =	vmul.f32 v0, v5;
	v1 =	vmul.f32 v61, v4;
	_ =	sdelay $0x1  }
0x1e2: {  	v0 =	vadd.f32 v1, v0;
	_ =	sdelay $0x1  }
0x1e3: {  	[tilespmem:s11+$0xA0] =	vst v0  }
0x1e4: {  	v0 =	vld [tilespmem:s29+$0x1E0]  }
0x1e5: {  	v62 =	vld [tilespmem:s29+$0x260];
	_ =	sdelay $0x4  }
0x1e6: {  	v0 =	vmul.f32 v0, v5;
	v1 =	vmul.f32 v62, v4;
	_ =	sdelay $0x1  }
0x1e7: {  	v0 =	vadd.f32 v1, v0;
	_ =	sdelay $0x1  }
0x1e8: {  	[tilespmem:s11+$0xB0] =	vst v0  }
0x1e9: {  	v0 =	vld [tilespmem:s29+$0x1F0]  }
0x1ea: {  	v63 =	vld [tilespmem:s29+$0x270];
	_ =	sdelay $0x4  }
0x1eb: {  	v0 =	vmul.f32 v0, v5;
	v1 =	vmul.f32 v63, v4;
	_ =	sdelay $0x1  }
0x1ec: {  	s0 =	smul.u32 $0x32, s28;
	s26 =	sadd.s32 $0x1, s26;
	v0 =	vadd.f32 v1, v0  }
0x1ed: {  	p0 =	sne.s32 s26, $0x40  }
.Ltmp1:
0x1ee: {  	s1 =	simm.s32 $0x0;
	s0 =	sadd.s32 s8, s0;
	[tilespmem:s3+$0xBF00] =	vst v0;
	(pc) =	sbr.rel @p0 .LBB2_2-.Ltmp1, $4  }
0x1ef: {  	[hbm4b:s0+s1] =	stream.linear.scatter [tilespmem:s24], [sflag:$0x2], $0x3200, $0x38;
	[tilespmem:$0xEF80] =	vst v63  }
0x1f0: {  	_ =	swait.ge [sflag:s12], $0x3200  }
0x1f1: {  	[sflag:s12] =	ssyncset.done $0x0  }
0x1f2: {  	[sflag:s12] =	ssyncadd.s32 $0xFFFFCE00  }
0x1f3: {  	s1 =	rddreg [dreg:$0x4]  }
0x1f4: {  	s0 =	rddreg [dreg:$0x3];
	s1 =	sadd.s32 $0x1, s1  }
0x1f5: {  	p0 =	sne.s32 s1, s0  }
.Ltmp2:
0x1f6: {  	_ = 	snop;
	(pc) =	sbr.rel @p0 .LBB2_1-.Ltmp2, $1  }
0x1f7: {  	_ =	sdelay $0x3  }
0x1f8: {  	_ =	sfence.sel $0x180000  }
0x1f9: {  	[bflag:$0x0] =	sbarrier.arrive $0xFFFF  }
0x1fa: {  	_ =	strace $0x9000004A  }
0x1fb: {  	s0 =	stileid.u32;
	[bflag:$0x2] =	sbarrier.arrive $0xFFFF  }
0x1fc: {  	p0 =	sne.s32 s0, $0x0;
	s0 =	rddreg [dreg:$0x2]  }
0x1fd: {  	s0 =	sadd.s32 @!p0 $0x100000, s0  }
0x1fe: {  	[sflag:s0] =	ssyncadd.tile.s32 @!p0 $0x1;
	_ =	shalt  }
.Lfunc_end2:
_tile_overlayer_lowered:
.L_overlay_start_2:
0x1ff: {  	(tag) =	ssettag $0x2  }
0x200: {  	s0 =	rddreg [dreg:$0x0];
	s2 =	stileid.u32  }
0x201: {  	s1 =	rddreg [dreg:$0x1];
	p0 =	sne.s32 s2, $0x0  }
0x202: {  	s3 =	rddreg [dreg:$0x2];
	[bflag:$0x3] =	sbarrier.arrive $0xFFFF;
	s2 =	simm.s32 @!p0 $0x1C02  }
0x203: {  	[timem:s3], [sflag:s2] =	dma.local @!p0 [hbm:s0], s1  }
0x204: {  	s0 =	simm.s32 @!p0 $0x2  }
0x205: {  	_ =	swait.ge @!p0 [sflag:s0], s1  }
0x206: {  	s1 =	ssub.s32 @!p0 $0x0, s1;
	[sflag:s0] =	ssyncset.done @!p0 $0x0  }
0x207: {  	[sflag:s0] =	ssyncadd.s32 @!p0 s1  }
0x208: {  	[bflag:$0x3] =	sbarrier.arrive $0xFFFF  }
0x209: {  	_ =	shalt  }

// kernel: sparse-core-data-format-call.cloned.1.call-start
scs
called_computation_lowered:
.L_overlay_start_0:
0x0: {  	s1 =	sld [smem:$0x3FD9]  }
0x1: {  	s2 =	sld [smem:$0x3FFE];
	_ =	sdelay $0x1  }
0x2: {  	s3 =	srdreg.scid  }
0x3: {  	s0 =	sand.u32 $0x1, s3  }
0x4: {  	s17 =	sshll.u32 s0, $0xA;
	s1 =	sadd.s32 s2, s1  }
0x5: {  	s1 =	sadd.s32 s1, s17  }
0x6: {  	[smem:$0x3FBA] =	sst s1  }
0x7: {  	_ = 	snop  }
0x8: {  	(tm) =	ssettm $0x1  }
0x9: {  	s18 =	sld [smem:$0x3FFB];
	_ =	sdelay $0x3  }
0xa: {  	_ =	strace s18  }
0xb: {  	s1 =	sld [smem:$0x3FFC];
	_ =	sdelay $0x3  }
0xc: {  	_ =	strace s1  }
0xd: {  	s1 =	sld [smem:$0x3FFD];
	_ =	sdelay $0x3  }
0xe: {  	_ =	strace s1  }
0xf: {  	_ =	strace $0x8FFFFFFF  }
0x10: {  	s19 =	sld [smem:$0x3FDB];
	_ =	sdelay $0x1  }
0x11: {  	s20 =	simm.s32 $_scs_section_size  }
0x12: {  	s4 =	simm.s32 $_size__tile_overlayer_lowered;
	s5 =	simm.s32 $_tile_overlayer_lowered  }
0x13: {  	s23 =	simm.s32 $0x1BFF;
	s22 =	sshll.u32 s5, $0x1;
	s1 =	sadd.s32 s20, s19  }
0x14: {  	s6 =	simm.s32 $0x0;
	s21 =	sshll.u32 s4, $0x1;
	s4 =	sadd.s32 s22, s1  }
0x15: {  	[timem:s6], [sflag:s23] =	dma.local [hbm:s4], s21  }
0x16: {  	_ =	swait.ge [sflag:s23], s21  }
0x17: {  	s2 =	ssub.s32 $0x0, s21;
	[sflag:s23] =	ssyncset.done $0x0  }
0x18: {  	[sflag:s23] =	ssyncadd.s32 s2;
	_ =	sdelay $0x1  }
0x19: {  	s24 =	simm.s32 $0x1B8B  }
0x1a: {  	_ =	swait.ge [sflag:s24], $0x1  }
0x1b: {  	[sflag:s24] =	ssyncset.done $0x0  }
0x1c: {  	s26 =	simm.s32 $0x1B8E;
	s25 =	sld [smem:$0x3FFE];
	[sflag:s24] =	ssyncadd.s32 $0xFFFFFFFF  }
0x1d: {  	s27 =	simm.s32 $execute0_lowered;
	[smem:$0x3FD2] =	sst s26  }
0x1e: {  	s4 =	sshll.u32 s27, $0x1;
	_ =	strace $0x80000046;
	[dreg:$0x1] =	wrdreg $0xFFFFFFFF  }
0x1f: {  	s28 =	simm.s32 $_size_execute0_lowered;
	s1 =	sadd.s32 s1, s4;
	[dreg:$0x0] =	wrdreg $0x0  }
0x20: {  	s4 =	sshll.u32 s28, $0x1;
	[dreg:$0x2] =	wrdreg s1  }
0x21: {  	[dreg:$0x3] =	wrdreg s4  }
0x22: {  	[dreg:$0x4] =	wrdreg $0xC0  }
0x23: {  	_ =	task [dreg:s6], $0x5FFFF  }
0x24: {  	[dreg:$0x1] =	wrdreg $0xFFFFFFFF  }
0x25: {  	[dreg:$0x0] =	wrdreg $0x60  }
0x26: {  	[dreg:$0x2] =	wrdreg s25  }
0x27: {  	[dreg:$0x3] =	wrdreg $0x9  }
0x28: {  	_ =	task.clear_ibuf [dreg:s6], $0x4FFFF;
	_ =	strace $0x90000046  }
0x29: {  	s29 =	simm.s32 $0x9;
	_ =	strace $0x80000048  }
0x2a: {  	_ =	swait.ge [sflag:s29], $0x1  }
0x2b: {  	[sflag:s29] =	ssyncadd.s32 $0xFFFFFFFF  }
0x2c: {  	_ =	strace $0x90000048  }
0x2d: {  	_ =	sfence  }
0x2e: {  	s30 =	sld [smem:$0x0];
	_ =	sdelay $0x2  }
0x2f: {  	s31 =	sshll.u32 s3, $0xD;
	s3 =	sshrl.u32 s3, $0x2  }
0x30: {  	s2 =	sand.u32 $0x4000, s31;
	s1 =	sadd.s32 s3, s30  }
0x31: {  	s0 =	sor.u32 s2, s0;
	s1 =	sshll.u32 s1, $0x11  }
0x32: {  	s0 =	sor.u32 s1, s0  }
0x33: {  	s0 =	sadd.s32 $0x8F2B, s0  }
0x34: {  	[sflag:s0] =	ssyncadd.remote.s32 $0x1  }
0x35: {  	_ =	sfence.sel $0xFFFF  }
0x36: {  	[dreg:$0x0] =	wrdreg $0xFFFFFFFF;
	(pc) =	sbr.abs _section_cstart, $3  }
0x37: {  	[dreg:$0x1] =	wrdreg $0xFFFFFFFF  }
0x38: {  	_ =	task.clear_ibuf [dreg:s6], $0x2FFFF;
	_ =	strace $0x9FFFFFFF  }
0x39: {  	(tm) =	ssettm $0x7FFFFFFF  }
tec
execute0_lowered:
.L_overlay_start_1:
0x0: {  	(tag) =	ssettag $0x1  }
0x1: {  	s1 =	rddreg [dreg:$0x0]  }
0x2: {  	s2 =	srdreg.scid;
	s0 =	rddreg [dreg:$0x1]  }
0x3: {  	_ =	strace $0x80000047;
	s5 =	simm.s32 $0x1;
	s9 =	simm.s32 $0x2  }
0x4: {  	s16 =	simm.s32 $0x0;
	p0 =	por $0x0, $0x0;
	s14 =	simm.s32 $0x0  }
0x5: {  	s13 =	simm.s32 $0x0;
	s15 =	simm.s32 $0x0;
	s11 =	simm.s32 $0x0  }
0x6: {  	s12 =	stileid.u32;
	s2 =	sand.u32 $0x1, s2;
	s3 =	sadd.s32 $0x2E7400, s1  }
.Ltmp0:
0x7: {  	s4 =	sadd.s32 $0x2600, s1;
	s6 =	ssub.s32 $0x2, s2;
	(pc) =	sbr.rel .LBB1_1-.Ltmp0, $4  }
0x8: {  	s1 =	stileid.u32;
	[sflag:s5] =	ssyncpa.u1 $0x0;
	s7 =	sshrl.u32 s6, $0x1  }
0x9: {  	[sflag:s9] =	ssyncpa.u1 $0x0;
	s9 =	simm.s32 $0x0;
	s8 =	sadd.s32 s2, s7  }
0xa: {  	s10 =	smov.u32 s2;
	s6 =	ssub.s32 s6, s7;
	s31 =	sshll.u32 s8, $0x4  }
0xb: {  	s6 =	sshll.u32 s6, $0x4;
	s8 =	simm.s32 $0x0;
	s7 =	ssub.s32 $0x22, s31  }
.LBB1_4:
0xc: {  	v5 =	vld [tilespmem:s19+$0xFFFFFFD0];
	[tilespmem:s20+$0x2040 ss:$0x81] =	vst.msk $0xffff, v1  }
0xd: {  	v58 =	vld [tilespmem:s19+$0xFFFFFFE0];
	[tilespmem:s20+$0x2850 ss:$0x81] =	vst.msk $0xffff, v2  }
0xe: {  	s21 =	sshra.s32 s21, $0x2;
	v59 =	vld [tilespmem:s19+$0xFFFFFFF0];
	[tilespmem:s20+$0x3060 ss:$0x81] =	vst.msk $0xffff, v3  }
0xf: {  	v60 =	vld [tilespmem:s19+$0x0];
	[tilespmem:s20+$0x0 ss:$0x81] =	vst.msk $0xffff, v0;
	s18 =	sadd.s32 s21, s18  }
0x10: {  	v61 =	vld [tilespmem:s19+$0x10];
	[tilespmem:s18+$0x3870 ss:$0x81] =	vst.msk $0xffff, v4  }
0x11: {  	s16 =	sshll.u32 s16, $0x7;
	s26 =	sshll.u32 s13, $0x3;
	v62 =	vld [tilespmem:s19+$0x20];
	[tilespmem:s18+$0x810 ss:$0x81] =	vst.msk $0xffff, v5  }
0x12: {  	v63 =	vld [tilespmem:s19+$0xFFFFFFC0];
	s15 =	sshll.u32 s15, $0xF;
	s27 =	sand.u32 $0x3FC00, s16;
	s20 =	sand.u32 $0x3FC00, s26;
	[tilespmem:s18+$0x1020 ss:$0x81] =	vst.msk $0xffff, v58  }
0x13: {  	s14 =	sshll.u32 s14, $0x13;
	s16 =	sand.u32 $0x380, s16;
	s28 =	sadd.s32 s20, s27;
	[tilespmem:s18+$0x1830 ss:$0x81] =	vst.msk $0xffff, v59  }
0x14: {  	s29 =	sshrl.u32 s13, $0x3;
	s15 =	sadd.s32 s4, s15;
	s16 =	sor.u32 s16, s28;
	[tilespmem:s18+$0x2040 ss:$0x81] =	vst.msk $0xffff, v60  }
0x15: {  	s19 =	sand.u32 $0xF, s29;
	s14 =	sadd.s32 s14, s15;
	s16 =	sshrl.u32 s16, $0x3;
	[tilespmem:s18+$0x2850 ss:$0x81] =	vst.msk $0xffff, v61  }
0x16: {  	s14 =	sadd.s32 s19, s14;
	[tilespmem:s18+$0x3060 ss:$0x81] =	vst.msk $0xffff, v62;
	s30 =	sand.u32 $0x7FF0, s16  }
0x17: {  	s31 =	sand.u32 $0x7, s13;
	[tilespmem:s18+$0x0 ss:$0x81] =	vst.msk $0xffff, v63;
	s14 =	sadd.s32 s30, s14  }
0x18: {  	[hbm4b:s14+s31] =	stream.linear.scatter [tilespmem:s17], [sflag:$0x2], $0x4000, $0x20;
	[tilespmem:$0x10100] =	vst v63  }
.LBB1_5:
0x19: {  	s17 =	sadd.s32 $0x80, s9  }
0x1a: {  	s13 =	sadd.s32 $0x2, s10;
	s18 =	smov.u32 s10;
	p2 =	sgt.s32 s17, $0x7FF  }
0x1b: {  	s18 =	smov.u32 @p2 s13  }
0x1c: {  	s19 =	smov.u32 s11;
	s13 =	sadd.s32 $0x80, s11;
	p3 =	sgt.s32 s18, $0x1  }
0x1d: {  	s19 =	smov.u32 @p3 s13  }
0x1e: {  	s20 =	smov.u32 s12;
	s13 =	sadd.s32 $0x10, s12;
	p4 =	sgt.s32 s19, $0x7F  }
0x1f: {  	p1 =	slt.u32 s8, $0x2;
	s20 =	smov.u32 @p4 s13  }
0x20: {  	s8 =	sadd.s32 $0x1, s8;
	s17 =	simm.s32 @p2 $0x0;
	p2 =	sgt.s32 s20, $0xF  }
0x21: {  	s16 =	smov.u32 s9;
	s20 =	smov.u32 @p2 s1;
	p2 =	sne.s32 s8, s7  }
.Ltmp1:
0x22: {  	s14 =	smov.u32 s10;
	s21 =	simm.s32 @!p1 $0x2;
	(pc) =	sbr.rel @!p2 .LBB1_6-.Ltmp1, $4  }
0x23: {  	s15 =	smov.u32 s12;
	p0 =	por !p0, !p0;
	_ =	swait.ge @!p1 [sflag:s21], $0x4000  }
0x24: {  	[sflag:s21] =	ssyncset.done @!p1 $0x0;
	s9 =	smov.u32 s17;
	s18 =	smov.u32 @p3 s2  }
0x25: {  	[sflag:s21] =	ssyncadd.s32 @!p1 $0xFFFFC000;
	s10 =	smov.u32 s18;
	s19 =	simm.s32 @p4 $0x0  }
0x26: {  	s13 =	smov.u32 s11;
	s11 =	smov.u32 s19;
	s12 =	smov.u32 s20  }
.LBB1_1:
0x27: {  	p1 =	sge.u32 s8, s6  }
0x28: {  	s31 =	sadd.s32 $0xFFFFFFFF, s8;
	s17 =	sxor.u32 @!p1 $0xFFFFFFFF, s8;
	s18 =	sshll.u32 @!p1 s10, $0x7  }
0x29: {  	s19 =	sand.u32 @!p1 $0x78, s9;
	s20 =	sshll.u32 @!p1 s9, $0x1;
	s21 =	sshrl.u32 @!p1 s9, $0x2  }
0x2a: {  	s18 =	sand.u32 @!p1 $0x80, s18;
	s17 =	sshll.u32 @!p1 s17, $0xE;
	s20 =	sand.u32 @!p1 $0x700, s20  }
0x2b: {  	s21 =	sand.u32 @!p1 $0x100, s21;
	s18 =	sor.u32 @!p1 s18, s19;
	s19 =	sshll.u32 @!p1 s12, $0x10  }
0x2c: {  	s18 =	sor.u32 @!p1 s20, s18;
	s20 =	sshll.u32 @!p1 s11, $0x9;
	s19 =	sadd.s32 @!p1 s3, s19  }
0x2d: {  	s17 =	sand.u32 @!p1 $0x4000, s17;
	s19 =	sadd.s32 @!p1 s20, s19;
	s20 =	sand.u32 @!p1 $0x7, s9  }
0x2e: {  	s18 =	sshrl.u32 @!p1 s18, $0x3;
	s19 =	sadd.s32 @!p1 s21, s19;
	s20 =	sshll.u32 @!p1 s20, $0x12  }
0x2f: {  	s18 =	sadd.s32 @!p1 s18, s19;
	s19 =	sor.u32 @!p1 $0x80, s20;
	s20 =	simm.s32 @!p1 $0x1000  }
0x30: {  	[tilespmem:s17], [sflag:$0x1] =	stream.strided.gather @!p1 [hbm4b:s18+s19], $0x4000, s20, s19, $0x38;
	[tilespmem:$0x10100] =	vst v63  }
0x31: {  	p1 =	sge.u32 s31, s6  }
.Ltmp2:
0x32: {  	_ = 	snop;
	(pc) =	sbr.rel @p1 .LBB1_5-.Ltmp2, $1  }
0x33: {  	_ =	sdelay $0x3  }
0x34: {  	s17 =	simm.s32 $0x1  }
0x35: {  	_ =	swait.ge [sflag:s5], $0x4000;
	s17 =	simm.s32 @!p0 $0x0  }
0x36: {  	[sflag:s5] =	ssyncset.done $0x0;
	s18 =	sshll.u32 s17, $0xE  }
0x37: {  	[sflag:s5] =	ssyncadd.s32 $0xFFFFC000;
	s19 =	sor.u32 $0x40, s18  }
0x38: {  	s17 =	smul.u32 $0x10200, s17;
	v0 =	vld [tilespmem:s19+$0x30]  }
0x39: {  	v3 =	vld [tilespmem:s19+$0xFFFFFFD0]  }
0x3a: {  	s17 =	sshrl.u32 s17, $0x2;
	v4 =	vld [tilespmem:s19+$0xFFFFFFE0]  }
0x3b: {  	v5 =	vld [tilespmem:s19+$0xFFFFFFF0];
	s18 =	sor.u32 $0x8000, s17  }
0x3c: {  	s31 =	sand.u32 $0x1, s8;
	v1 =	vld [tilespmem:s19+$0x0];
	s20 =	sadd.s32 $0x0, s18  }
0x3d: {  	v2 =	vld [tilespmem:s19+$0x10];
	s17 =	smul.u32 $0x10200, s31;
	[tilespmem:s20+$0x3870 ss:$0x81] =	vst.msk $0xffff, v0  }
0x3e: {  	[tilespmem:s20+$0x810 ss:$0x81] =	vst.msk $0xffff, v3;
	v3 =	vld [tilespmem:s19+$0x20]  }
0x3f: {  	s17 =	sshrl.u32 s17, $0x2;
	v0 =	vld [tilespmem:s19+$0xFFFFFFC0];
	[tilespmem:s20+$0x1020 ss:$0x81] =	vst.msk $0xffff, v4;
	s19 =	sadd.s32 $0x80, s19  }
0x40: {  	s21 =	simm.s32 $0x4;
	s22 =	simm.s32 $0x8;
	s17 =	sor.u32 $0x8000, s17;
	[tilespmem:s20+$0x1830 ss:$0x81] =	vst.msk $0xffff, v5;
	v4 =	vld [tilespmem:s19+$0x30]  }
.LBB1_3:
0x41: {  	p1 =	sne.s32 s22, $0x1FC;
	v5 =	vld [tilespmem:s19+$0xFFFFFFD0];
	[tilespmem:s20+$0x2040 ss:$0x81] =	vst.msk $0xffff, v1  }
0x42: {  	v6 =	vld [tilespmem:s19+$0xFFFFFFE0];
	[tilespmem:s20+$0x2850 ss:$0x81] =	vst.msk $0xffff, v2  }
0x43: {  	s23 =	sshra.s32 s21, $0x2;
	s21 =	smov.u32 s22;
	v7 =	vld [tilespmem:s19+$0xFFFFFFF0];
	[tilespmem:s20+$0x3060 ss:$0x81] =	vst.msk $0xffff, v3  }
.Ltmp3:
0x44: {  	v1 =	vld [tilespmem:s19+$0x0];
	[tilespmem:s20+$0x0 ss:$0x81] =	vst.msk $0xffff, v0;
	s20 =	sadd.s32 s23, s18;
	(pc) =	sbr.rel @p1 .LBB1_3-.Ltmp3, $4  }
0x45: {  	v2 =	vld [tilespmem:s19+$0x10];
	[tilespmem:s20+$0x3870 ss:$0x81] =	vst.msk $0xffff, v4  }
0x46: {  	[tilespmem:s20+$0x810 ss:$0x81] =	vst.msk $0xffff, v5;
	v3 =	vld [tilespmem:s19+$0x20]  }
0x47: {  	v0 =	vld [tilespmem:s19+$0xFFFFFFC0];
	[tilespmem:s20+$0x1020 ss:$0x81] =	vst.msk $0xffff, v6;
	s19 =	sadd.s32 $0x80, s19  }
0x48: {  	s22 =	sadd.s32 $0x4, s22;
	v4 =	vld [tilespmem:s19+$0x30];
	[tilespmem:s20+$0x1830 ss:$0x81] =	vst.msk $0xffff, v7  }
.Ltmp4:
0x49: {  	_ = 	snop;
	(pc) =	sbr.rel .LBB1_4-.Ltmp4, $1  }
0x4a: {  	_ =	sdelay $0x3  }
.LBB1_6:
0x4b: {  	_ =	sfence.sel $0x180000  }
0x4c: {  	s2 =	simm.s32 $0x1;
	[bflag:$0x0] =	sbarrier.arrive $0xFFFF  }
0x4d: {  	s31 =	simm.s32 $0x2;
	[sflag:s2] =	ssyncpa.u1 $0x1  }
0x4e: {  	[sflag:s31] =	ssyncpa.u1 $0x1  }
0x4f: {  	p0 =	sne.s32 s1, $0x0;
	_ =	strace $0x90000047  }
0x50: {  	s0 =	sadd.s32 @!p0 $0x100000, s0;
	[bflag:$0x2] =	sbarrier.arrive $0xFFFF  }
0x51: {  	[sflag:s0] =	ssyncadd.tile.s32 @!p0 $0x1;
	_ =	shalt  }
.Lfunc_end1:
_tile_overlayer_lowered:
.L_overlay_start_2:
0x52: {  	(tag) =	ssettag $0x2  }
0x53: {  	s0 =	rddreg [dreg:$0x0];
	s2 =	stileid.u32  }
0x54: {  	s1 =	rddreg [dreg:$0x1];
	p0 =	sne.s32 s2, $0x0  }
0x55: {  	s3 =	rddreg [dreg:$0x2];
	[bflag:$0x3] =	sbarrier.arrive $0xFFFF;
	s2 =	simm.s32 @!p0 $0x1C01  }
0x56: {  	[timem:s3], [sflag:s2] =	dma.local @!p0 [hbm:s0], s1  }
0x57: {  	s0 =	simm.s32 @!p0 $0x1  }
0x58: {  	_ =	swait.ge @!p0 [sflag:s0], s1  }
0x59: {  	s1 =	ssub.s32 @!p0 $0x0, s1;
	[sflag:s0] =	ssyncset.done @!p0 $0x0  }
0x5a: {  	[sflag:s0] =	ssyncadd.s32 @!p0 s1  }
0x5b: {  	[bflag:$0x3] =	sbarrier.arrive $0xFFFF  }
0x5c: {  	_ =	shalt  }

</sc_bundles>
